<compile_context>
chip_gen: v7x
topology: tpu7x:2x2x1
jax: 0.10.2.dev20260603
libtpu: 0.0.44.dev20260713+nightly
codegen_flags: <defaults>
</compile_context>

<pallas_src>
import functools

import jax
import jax.numpy as jnp
from jax import lax
from jax.experimental import pallas as pl
from jax.experimental.pallas import tpu as pltpu
from jax.experimental.pallas import tpu_sc as plsc


def kernel(diffusion_step, pe_mat):
    (B,) = diffusion_step.shape
    V, D = pe_mat.shape

    info = plsc.get_sparse_core_info()
    NC, NS = info.num_cores, info.num_subcores
    NW = NC * NS
    b_per_w = B // NW
    CHUNK = 64
    n_chunks = b_per_w // CHUNK
    STAGE_TILES = 8
    v_per_stage = (V // STAGE_TILES) // 8 * 8

    mesh = plsc.VectorSubcoreMesh(core_axis_name="c", subcore_axis_name="s")

    @functools.partial(
        pl.kernel,
        mesh=mesh,
        out_type=jax.ShapeDtypeStruct((B, D), jnp.float32),
        scratch_types=[
            pltpu.VMEM((b_per_w,), jnp.int32),
            pltpu.VMEM((b_per_w, D), jnp.float32),
            pltpu.VMEM_SHARED((V, D), jnp.float32),
        ]
        + [pltpu.SemaphoreType.DMA] * (n_chunks + 1),
    )
    def gather_rows(idx_hbm, table_hbm, out_hbm, idx_v, rows_v, table_sh, *sems):
        gsems, osem = sems[:n_chunks], sems[n_chunks]
        sid = lax.axis_index("s")
        wid = sid * NC + lax.axis_index("c")
        base = wid * b_per_w

        @pl.when(sid < STAGE_TILES)
        def _stage_table():
            row0 = sid * v_per_stage
            pltpu.sync_copy(
                table_hbm.at[pl.ds(row0, v_per_stage)],
                table_sh.at[pl.ds(row0, v_per_stage)],
            )

        rem = V - STAGE_TILES * v_per_stage
        if rem:

            @pl.when(sid == STAGE_TILES)
            def _stage_rem():
                pltpu.sync_copy(
                    table_hbm.at[pl.ds(STAGE_TILES * v_per_stage, rem)],
                    table_sh.at[pl.ds(STAGE_TILES * v_per_stage, rem)],
                )

        pltpu.sync_copy(idx_hbm.at[pl.ds(base, b_per_w)], idx_v)
        plsc.subcore_barrier()
        gathers = [
            pltpu.async_copy(
                table_sh.at[idx_v.at[pl.ds(j * CHUNK, CHUNK)]],
                rows_v.at[pl.ds(j * CHUNK, CHUNK)],
                gsems[j],
            )
            for j in range(n_chunks)
        ]
        outs = []
        for j in range(n_chunks):
            gathers[j].wait()
            outs.append(
                pltpu.async_copy(
                    rows_v.at[pl.ds(j * CHUNK, CHUNK)],
                    out_hbm.at[pl.ds(base + j * CHUNK, CHUNK)],
                    osem,
                )
            )
        for o in outs:
            o.wait()

    return gather_rows(diffusion_step, pe_mat)

# --- scband reference (transcript-rebuilt; emitter-appended) ---
"""Pipeline reference for scband-time-embedder-40278203302416 (READ-ONLY COPY).

The authoritative reference and input builder live on the scoring server;
editing this copy changes nothing except your own understanding.
"""

import jax, jax.numpy as jnp
import numpy as np

N_STEPS = 1000
TIME_DIM = 128
BATCH = 16384


def _make_pe_mat():
    pos = np.arange(N_STEPS, dtype=np.float32)[:, None]
    i = np.arange(TIME_DIM // 2, dtype=np.float32)[None, :]
    angle = pos / np.power(10000.0, 2.0 * i / TIME_DIM)
    pe = np.zeros((N_STEPS, TIME_DIM), dtype=np.float32)
    pe[:, 0::2] = np.sin(angle)
    pe[:, 1::2] = np.cos(angle)
    return jnp.asarray(pe)


def setup_inputs(seed: int = 0) -> dict:
    key = jax.random.key(seed)
    diffusion_step = jax.random.randint(key, (BATCH,), 0, N_STEPS, dtype=jnp.int32)
    pe_mat = _make_pe_mat()
    return {"diffusion_step": diffusion_step, "pe_mat": pe_mat}


def reference(diffusion_step, pe_mat):
    # pe_mat[diffusion_step, :] -> row gather
    return jnp.take(pe_mat, diffusion_step, axis=0)

if __name__ == "__main__":
    import jax
    _d = setup_inputs()
    print(jax.jit(kernel)(*tuple(_d.values())))

</pallas_src>

<mosaic_0001>
#map = affine_map<(d0, d1) -> (0)>
#map1 = affine_map<(d0, d1) -> (0, 0)>
module attributes {stable_mosaic.version = 14 : i64} {
  func.func @gather_rows(%arg0: i32, %arg1: i32, %arg2: memref<16384xi32, #tpu.memory_space<hbm>>, %arg3: memref<1000x128xf32, #tpu.memory_space<hbm>>, %arg4: memref<16384x128xf32, #tpu.memory_space<hbm>>, %arg5: memref<512xi32, #tpu.memory_space<vmem>>, %arg6: memref<512x128xf32, #tpu.memory_space<vmem>>, %arg7: memref<1000x128xf32, #tpu.memory_space<vmem_shared>>, %arg8: memref<!tpu.dma_semaphore, #tpu.memory_space<semaphore_mem>>, %arg9: memref<!tpu.dma_semaphore, #tpu.memory_space<semaphore_mem>>, %arg10: memref<!tpu.dma_semaphore, #tpu.memory_space<semaphore_mem>>, %arg11: memref<!tpu.dma_semaphore, #tpu.memory_space<semaphore_mem>>, %arg12: memref<!tpu.dma_semaphore, #tpu.memory_space<semaphore_mem>>, %arg13: memref<!tpu.dma_semaphore, #tpu.memory_space<semaphore_mem>>, %arg14: memref<!tpu.dma_semaphore, #tpu.memory_space<semaphore_mem>>, %arg15: memref<!tpu.dma_semaphore, #tpu.memory_space<semaphore_mem>>, %arg16: memref<!tpu.dma_semaphore, #tpu.memory_space<semaphore_mem>>) attributes {dimension_semantics = [#tpu.dimension_semantics<core_parallel>, #tpu.dimension_semantics<subcore_parallel>], iteration_bounds = array<i64: 2, 16>, scalar_prefetch = 0 : i64, scratch_operands = 12 : i64, tpu.core_type = #tpu.core_type<sc_vector_subcore>, window_params = [{transform_indices = #map}, {transform_indices = #map1}, {transform_indices = #map1}]} {
    %mul3A = arith.constant 2 : i32
    %mul3A_0 = arith.muli %arg1, %mul3A : i32
    %add3A = arith.addi %mul3A_0, %arg0 : i32
    %mul3A_1 = arith.constant 512 : i32
    %mul3A_2 = arith.muli %add3A, %mul3A_1 : i32
    %lt3A = arith.constant 8 : i32
    %lt3A_3 = arith.cmpi slt, %arg1, %lt3A : i32
    %convert_element_type3A = arith.extui %lt3A_3 : i1 to i32
    %cond3A = arith.constant 0 : i32
    %cond3A_4 = arith.cmpi ne, %convert_element_type3A, %cond3A : i32
    scf.if %cond3A_4 {
      %mul3A_311 = arith.constant 120 : i32
      %mul3A_312 = arith.muli %arg1, %mul3A_311 : i32
      "tpu.region"() ({
        %run_scoped3A = tpu.sem_alloc : memref<!tpu.dma_semaphore, #tpu.memory_space<semaphore_mem>>
        %dma_start3A_313 = arith.constant 0 : i32
        %dma_start3A_314 = tpu.memref_slice %arg7[%mul3A_312, %dma_start3A_313] : memref<1000x128xf32, #tpu.memory_space<vmem_shared>> -> memref<120x128xf32, #tpu.memory_space<vmem_shared>>
        %dma_start3A_315 = arith.constant 0 : i32
        %dma_start3A_316 = tpu.memref_slice %arg3[%mul3A_312, %dma_start3A_315] : memref<1000x128xf32, #tpu.memory_space<hbm>> -> memref<120x128xf32, #tpu.memory_space<hbm>>
        tpu.enqueue_dma source(%dma_start3A_316 : memref<120x128xf32, #tpu.memory_space<hbm>>) target(%dma_start3A_314 : memref<120x128xf32, #tpu.memory_space<vmem_shared>>) target_semaphore(%run_scoped3A : memref<!tpu.dma_semaphore, #tpu.memory_space<semaphore_mem>>)
        %dma_wait3A_317 = arith.constant 0 : i32
        %dma_wait3A_318 = tpu.memref_slice %arg7[%mul3A_312, %dma_wait3A_317] : memref<1000x128xf32, #tpu.memory_space<vmem_shared>> -> memref<120x128xf32, #tpu.memory_space<vmem_shared>>
        %dma_wait3A_319 = arith.constant 0 : i32
        %dma_wait3A_320 = tpu.memref_slice %arg3[%mul3A_312, %dma_wait3A_319] : memref<1000x128xf32, #tpu.memory_space<hbm>> -> memref<120x128xf32, #tpu.memory_space<hbm>>
        tpu.wait_dma2 semaphore(%run_scoped3A : memref<!tpu.dma_semaphore, #tpu.memory_space<semaphore_mem>>) src(%dma_wait3A_320 : memref<120x128xf32, #tpu.memory_space<hbm>>) dst(%dma_wait3A_318 : memref<120x128xf32, #tpu.memory_space<vmem_shared>>)
        tpu.yield
      }) : () -> ()
    } else {
    }
    %eq3A = arith.constant 8 : i32
    %eq3A_5 = arith.cmpi eq, %arg1, %eq3A : i32
    %convert_element_type3A_6 = arith.extui %eq3A_5 : i1 to i32
    %cond3A_7 = arith.constant 0 : i32
    %cond3A_8 = arith.cmpi ne, %convert_element_type3A_6, %cond3A_7 : i32
    scf.if %cond3A_8 {
      "tpu.region"() ({
        %run_scoped3A = tpu.sem_alloc : memref<!tpu.dma_semaphore, #tpu.memory_space<semaphore_mem>>
        %dma_start3A_311 = arith.constant 960 : i32
        %dma_start3A_312 = arith.constant 0 : i32
        %dma_start3A_313 = tpu.memref_slice %arg7[%dma_start3A_311, %dma_start3A_312] : memref<1000x128xf32, #tpu.memory_space<vmem_shared>> -> memref<40x128xf32, #tpu.memory_space<vmem_shared>>
        %dma_start3A_314 = arith.constant 960 : i32
        %dma_start3A_315 = arith.constant 0 : i32
        %dma_start3A_316 = tpu.memref_slice %arg3[%dma_start3A_314, %dma_start3A_315] : memref<1000x128xf32, #tpu.memory_space<hbm>> -> memref<40x128xf32, #tpu.memory_space<hbm>>
        tpu.enqueue_dma source(%dma_start3A_316 : memref<40x128xf32, #tpu.memory_space<hbm>>) target(%dma_start3A_313 : memref<40x128xf32, #tpu.memory_space<vmem_shared>>) target_semaphore(%run_scoped3A : memref<!tpu.dma_semaphore, #tpu.memory_space<semaphore_mem>>)
        %dma_wait3A_317 = arith.constant 960 : i32
        %dma_wait3A_318 = arith.constant 0 : i32
        %dma_wait3A_319 = tpu.memref_slice %arg7[%dma_wait3A_317, %dma_wait3A_318] : memref<1000x128xf32, #tpu.memory_space<vmem_shared>> -> memref<40x128xf32, #tpu.memory_space<vmem_shared>>
        %dma_wait3A_320 = arith.constant 960 : i32
        %dma_wait3A_321 = arith.constant 0 : i32
        %dma_wait3A_322 = tpu.memref_slice %arg3[%dma_wait3A_320, %dma_wait3A_321] : memref<1000x128xf32, #tpu.memory_space<hbm>> -> memref<40x128xf32, #tpu.memory_space<hbm>>
        tpu.wait_dma2 semaphore(%run_scoped3A : memref<!tpu.dma_semaphore, #tpu.memory_space<semaphore_mem>>) src(%dma_wait3A_322 : memref<40x128xf32, #tpu.memory_space<hbm>>) dst(%dma_wait3A_319 : memref<40x128xf32, #tpu.memory_space<vmem_shared>>)
        tpu.yield
      }) : () -> ()
    } else {
    }
    "tpu.region"() ({
      %run_scoped3A = tpu.sem_alloc : memref<!tpu.dma_semaphore, #tpu.memory_space<semaphore_mem>>
      %dma_start3A_311 = tpu.memref_slice %arg2[%mul3A_2] : memref<16384xi32, #tpu.memory_space<hbm>> -> memref<512xi32, #tpu.memory_space<hbm>>
      %dma_start3A_312 = tpu.memref_slice %arg2[%mul3A_2] : memref<16384xi32, #tpu.memory_space<hbm>> -> memref<512xi32, #tpu.memory_space<hbm>>
      tpu.enqueue_dma source(%dma_start3A_312 : memref<512xi32, #tpu.memory_space<hbm>>) target(%arg5 : memref<512xi32, #tpu.memory_space<vmem>>) target_semaphore(%run_scoped3A : memref<!tpu.dma_semaphore, #tpu.memory_space<semaphore_mem>>)
      %dma_wait3A_313 = tpu.memref_slice %arg2[%mul3A_2] : memref<16384xi32, #tpu.memory_space<hbm>> -> memref<512xi32, #tpu.memory_space<hbm>>
      %dma_wait3A_314 = tpu.memref_slice %arg2[%mul3A_2] : memref<16384xi32, #tpu.memory_space<hbm>> -> memref<512xi32, #tpu.memory_space<hbm>>
      tpu.wait_dma2 semaphore(%run_scoped3A : memref<!tpu.dma_semaphore, #tpu.memory_space<semaphore_mem>>) src(%dma_wait3A_314 : memref<512xi32, #tpu.memory_space<hbm>>) dst(%arg5 : memref<512xi32, #tpu.memory_space<vmem>>)
      tpu.yield
    }) : () -> ()
    %barrier3A = arith.constant 0 : index
    tpu.barrier barrier_id(%barrier3A)
    %dma_start3A = arith.constant 0 : i32
    %dma_start3A_9 = arith.constant 0 : i32
    %dma_start3A_10 = tpu.memref_slice %arg6[%dma_start3A, %dma_start3A_9] : memref<512x128xf32, #tpu.memory_space<vmem>> -> memref<64x128xf32, #tpu.memory_space<vmem>>
    %dma_start3A_11 = arith.constant 0 : i32
    %dma_start3A_12 = tpu.memref_slice %arg5[%dma_start3A_11] : memref<512xi32, #tpu.memory_space<vmem>> -> memref<64xi32, #tpu.memory_space<vmem>>
    %dma_start3A_13 = arith.constant 0 : i32
    %dma_start3A_14 = arith.constant 0 : i32
    %dma_start3A_15 = tpu.memref_slice %arg7[%dma_start3A_13, %dma_start3A_14] : memref<1000x128xf32, #tpu.memory_space<vmem_shared>> -> memref<1000x128xf32, #tpu.memory_space<vmem_shared>>
    tpu.enqueue_indirect_dma source(%dma_start3A_15 : memref<1000x128xf32, #tpu.memory_space<vmem_shared>>) target(%dma_start3A_10 : memref<64x128xf32, #tpu.memory_space<vmem>>) offsets(%dma_start3A_12 : memref<64xi32, #tpu.memory_space<vmem>>) semaphore(%arg8 : memref<!tpu.dma_semaphore, #tpu.memory_space<semaphore_mem>>)
    %dma_start3A_16 = arith.constant 64 : i32
    %dma_start3A_17 = arith.constant 0 : i32
    %dma_start3A_18 = tpu.memref_slice %arg6[%dma_start3A_16, %dma_start3A_17] : memref<512x128xf32, #tpu.memory_space<vmem>> -> memref<64x128xf32, #tpu.memory_space<vmem>>
    %dma_start3A_19 = arith.constant 64 : i32
    %dma_start3A_20 = tpu.memref_slice %arg5[%dma_start3A_19] : memref<512xi32, #tpu.memory_space<vmem>> -> memref<64xi32, #tpu.memory_space<vmem>>
    %dma_start3A_21 = arith.constant 0 : i32
    %dma_start3A_22 = arith.constant 0 : i32
    %dma_start3A_23 = tpu.memref_slice %arg7[%dma_start3A_21, %dma_start3A_22] : memref<1000x128xf32, #tpu.memory_space<vmem_shared>> -> memref<1000x128xf32, #tpu.memory_space<vmem_shared>>
    tpu.enqueue_indirect_dma source(%dma_start3A_23 : memref<1000x128xf32, #tpu.memory_space<vmem_shared>>) target(%dma_start3A_18 : memref<64x128xf32, #tpu.memory_space<vmem>>) offsets(%dma_start3A_20 : memref<64xi32, #tpu.memory_space<vmem>>) semaphore(%arg9 : memref<!tpu.dma_semaphore, #tpu.memory_space<semaphore_mem>>)
    %dma_start3A_24 = arith.constant 128 : i32
    %dma_start3A_25 = arith.constant 0 : i32
    %dma_start3A_26 = tpu.memref_slice %arg6[%dma_start3A_24, %dma_start3A_25] : memref<512x128xf32, #tpu.memory_space<vmem>> -> memref<64x128xf32, #tpu.memory_space<vmem>>
    %dma_start3A_27 = arith.constant 128 : i32
    %dma_start3A_28 = tpu.memref_slice %arg5[%dma_start3A_27] : memref<512xi32, #tpu.memory_space<vmem>> -> memref<64xi32, #tpu.memory_space<vmem>>
    %dma_start3A_29 = arith.constant 0 : i32
    %dma_start3A_30 = arith.constant 0 : i32
    %dma_start3A_31 = tpu.memref_slice %arg7[%dma_start3A_29, %dma_start3A_30] : memref<1000x128xf32, #tpu.memory_space<vmem_shared>> -> memref<1000x128xf32, #tpu.memory_space<vmem_shared>>
    tpu.enqueue_indirect_dma source(%dma_start3A_31 : memref<1000x128xf32, #tpu.memory_space<vmem_shared>>) target(%dma_start3A_26 : memref<64x128xf32, #tpu.memory_space<vmem>>) offsets(%dma_start3A_28 : memref<64xi32, #tpu.memory_space<vmem>>) semaphore(%arg10 : memref<!tpu.dma_semaphore, #tpu.memory_space<semaphore_mem>>)
    %dma_start3A_32 = arith.constant 192 : i32
    %dma_start3A_33 = arith.constant 0 : i32
    %dma_start3A_34 = tpu.memref_slice %arg6[%dma_start3A_32, %dma_start3A_33] : memref<512x128xf32, #tpu.memory_space<vmem>> -> memref<64x128xf32, #tpu.memory_space<vmem>>
    %dma_start3A_35 = arith.constant 192 : i32
    %dma_start3A_36 = tpu.memref_slice %arg5[%dma_start3A_35] : memref<512xi32, #tpu.memory_space<vmem>> -> memref<64xi32, #tpu.memory_space<vmem>>
    %dma_start3A_37 = arith.constant 0 : i32
    %dma_start3A_38 = arith.constant 0 : i32
    %dma_start3A_39 = tpu.memref_slice %arg7[%dma_start3A_37, %dma_start3A_38] : memref<1000x128xf32, #tpu.memory_space<vmem_shared>> -> memref<1000x128xf32, #tpu.memory_space<vmem_shared>>
    tpu.enqueue_indirect_dma source(%dma_start3A_39 : memref<1000x128xf32, #tpu.memory_space<vmem_shared>>) target(%dma_start3A_34 : memref<64x128xf32, #tpu.memory_space<vmem>>) offsets(%dma_start3A_36 : memref<64xi32, #tpu.memory_space<vmem>>) semaphore(%arg11 : memref<!tpu.dma_semaphore, #tpu.memory_space<semaphore_mem>>)
    %dma_start3A_40 = arith.constant 256 : i32
    %dma_start3A_41 = arith.constant 0 : i32
    %dma_start3A_42 = tpu.memref_slice %arg6[%dma_start3A_40, %dma_start3A_41] : memref<512x128xf32, #tpu.memory_space<vmem>> -> memref<64x128xf32, #tpu.memory_space<vmem>>
    %dma_start3A_43 = arith.constant 256 : i32
    %dma_start3A_44 = tpu.memref_slice %arg5[%dma_start3A_43] : memref<512xi32, #tpu.memory_space<vmem>> -> memref<64xi32, #tpu.memory_space<vmem>>
    %dma_start3A_45 = arith.constant 0 : i32
    %dma_start3A_46 = arith.constant 0 : i32
    %dma_start3A_47 = tpu.memref_slice %arg7[%dma_start3A_45, %dma_start3A_46] : memref<1000x128xf32, #tpu.memory_space<vmem_shared>> -> memref<1000x128xf32, #tpu.memory_space<vmem_shared>>
    tpu.enqueue_indirect_dma source(%dma_start3A_47 : memref<1000x128xf32, #tpu.memory_space<vmem_shared>>) target(%dma_start3A_42 : memref<64x128xf32, #tpu.memory_space<vmem>>) offsets(%dma_start3A_44 : memref<64xi32, #tpu.memory_space<vmem>>) semaphore(%arg12 : memref<!tpu.dma_semaphore, #tpu.memory_space<semaphore_mem>>)
    %dma_start3A_48 = arith.constant 320 : i32
    %dma_start3A_49 = arith.constant 0 : i32
    %dma_start3A_50 = tpu.memref_slice %arg6[%dma_start3A_48, %dma_start3A_49] : memref<512x128xf32, #tpu.memory_space<vmem>> -> memref<64x128xf32, #tpu.memory_space<vmem>>
    %dma_start3A_51 = arith.constant 320 : i32
    %dma_start3A_52 = tpu.memref_slice %arg5[%dma_start3A_51] : memref<512xi32, #tpu.memory_space<vmem>> -> memref<64xi32, #tpu.memory_space<vmem>>
    %dma_start3A_53 = arith.constant 0 : i32
    %dma_start3A_54 = arith.constant 0 : i32
    %dma_start3A_55 = tpu.memref_slice %arg7[%dma_start3A_53, %dma_start3A_54] : memref<1000x128xf32, #tpu.memory_space<vmem_shared>> -> memref<1000x128xf32, #tpu.memory_space<vmem_shared>>
    tpu.enqueue_indirect_dma source(%dma_start3A_55 : memref<1000x128xf32, #tpu.memory_space<vmem_shared>>) target(%dma_start3A_50 : memref<64x128xf32, #tpu.memory_space<vmem>>) offsets(%dma_start3A_52 : memref<64xi32, #tpu.memory_space<vmem>>) semaphore(%arg13 : memref<!tpu.dma_semaphore, #tpu.memory_space<semaphore_mem>>)
    %dma_start3A_56 = arith.constant 384 : i32
    %dma_start3A_57 = arith.constant 0 : i32
    %dma_start3A_58 = tpu.memref_slice %arg6[%dma_start3A_56, %dma_start3A_57] : memref<512x128xf32, #tpu.memory_space<vmem>> -> memref<64x128xf32, #tpu.memory_space<vmem>>
    %dma_start3A_59 = arith.constant 384 : i32
    %dma_start3A_60 = tpu.memref_slice %arg5[%dma_start3A_59] : memref<512xi32, #tpu.memory_space<vmem>> -> memref<64xi32, #tpu.memory_space<vmem>>
    %dma_start3A_61 = arith.constant 0 : i32
    %dma_start3A_62 = arith.constant 0 : i32
    %dma_start3A_63 = tpu.memref_slice %arg7[%dma_start3A_61, %dma_start3A_62] : memref<1000x128xf32, #tpu.memory_space<vmem_shared>> -> memref<1000x128xf32, #tpu.memory_space<vmem_shared>>
    tpu.enqueue_indirect_dma source(%dma_start3A_63 : memref<1000x128xf32, #tpu.memory_space<vmem_shared>>) target(%dma_start3A_58 : memref<64x128xf32, #tpu.memory_space<vmem>>) offsets(%dma_start3A_60 : memref<64xi32, #tpu.memory_space<vmem>>) semaphore(%arg14 : memref<!tpu.dma_semaphore, #tpu.memory_space<semaphore_mem>>)
    %dma_start3A_64 = arith.constant 448 : i32
    %dma_start3A_65 = arith.constant 0 : i32
    %dma_start3A_66 = tpu.memref_slice %arg6[%dma_start3A_64, %dma_start3A_65] : memref<512x128xf32, #tpu.memory_space<vmem>> -> memref<64x128xf32, #tpu.memory_space<vmem>>
    %dma_start3A_67 = arith.constant 448 : i32
    %dma_start3A_68 = tpu.memref_slice %arg5[%dma_start3A_67] : memref<512xi32, #tpu.memory_space<vmem>> -> memref<64xi32, #tpu.memory_space<vmem>>
    %dma_start3A_69 = arith.constant 0 : i32
    %dma_start3A_70 = arith.constant 0 : i32
    %dma_start3A_71 = tpu.memref_slice %arg7[%dma_start3A_69, %dma_start3A_70] : memref<1000x128xf32, #tpu.memory_space<vmem_shared>> -> memref<1000x128xf32, #tpu.memory_space<vmem_shared>>
    tpu.enqueue_indirect_dma source(%dma_start3A_71 : memref<1000x128xf32, #tpu.memory_space<vmem_shared>>) target(%dma_start3A_66 : memref<64x128xf32, #tpu.memory_space<vmem>>) offsets(%dma_start3A_68 : memref<64xi32, #tpu.memory_space<vmem>>) semaphore(%arg15 : memref<!tpu.dma_semaphore, #tpu.memory_space<semaphore_mem>>)
    %dma_wait3A = arith.constant 0 : i32
    %dma_wait3A_72 = arith.constant 0 : i32
    %dma_wait3A_73 = tpu.memref_slice %arg6[%dma_wait3A, %dma_wait3A_72] : memref<512x128xf32, #tpu.memory_space<vmem>> -> memref<64x128xf32, #tpu.memory_space<vmem>>
    %dma_wait3A_74 = arith.constant 0 : i32
    %dma_wait3A_75 = tpu.memref_slice %arg5[%dma_wait3A_74] : memref<512xi32, #tpu.memory_space<vmem>> -> memref<64xi32, #tpu.memory_space<vmem>>
    %dma_wait3A_76 = arith.constant 0 : i32
    %dma_wait3A_77 = arith.constant 0 : i32
    %dma_wait3A_78 = tpu.memref_slice %arg7[%dma_wait3A_76, %dma_wait3A_77] : memref<1000x128xf32, #tpu.memory_space<vmem_shared>> -> memref<1000x128xf32, #tpu.memory_space<vmem_shared>>
    tpu.wait_indirect_dma semaphore(%arg8 : memref<!tpu.dma_semaphore, #tpu.memory_space<semaphore_mem>>) src(%dma_wait3A_78 : memref<1000x128xf32, #tpu.memory_space<vmem_shared>>) dst(%dma_wait3A_73 : memref<64x128xf32, #tpu.memory_space<vmem>>)
    %add3A_79 = arith.constant 0 : i32
    %add3A_80 = arith.addi %mul3A_2, %add3A_79 : i32
    %dma_start3A_81 = arith.constant 0 : i32
    %dma_start3A_82 = arith.constant 0 : i32
    %dma_start3A_83 = tpu.memref_slice %arg6[%dma_start3A_81, %dma_start3A_82] : memref<512x128xf32, #tpu.memory_space<vmem>> -> memref<64x128xf32, #tpu.memory_space<vmem>>
    %dma_start3A_84 = arith.constant 0 : i32
    %dma_start3A_85 = tpu.memref_slice %arg4[%add3A_80, %dma_start3A_84] : memref<16384x128xf32, #tpu.memory_space<hbm>> -> memref<64x128xf32, #tpu.memory_space<hbm>>
    %dma_start3A_86 = arith.constant 0 : i32
    %dma_start3A_87 = tpu.memref_slice %arg4[%add3A_80, %dma_start3A_86] : memref<16384x128xf32, #tpu.memory_space<hbm>> -> memref<64x128xf32, #tpu.memory_space<hbm>>
    %dma_start3A_88 = arith.constant 0 : i32
    %dma_start3A_89 = arith.constant 0 : i32
    %dma_start3A_90 = tpu.memref_slice %arg6[%dma_start3A_88, %dma_start3A_89] : memref<512x128xf32, #tpu.memory_space<vmem>> -> memref<64x128xf32, #tpu.memory_space<vmem>>
    tpu.enqueue_dma source(%dma_start3A_90 : memref<64x128xf32, #tpu.memory_space<vmem>>) target(%dma_start3A_87 : memref<64x128xf32, #tpu.memory_space<hbm>>) target_semaphore(%arg16 : memref<!tpu.dma_semaphore, #tpu.memory_space<semaphore_mem>>)
    %dma_wait3A_91 = arith.constant 64 : i32
    %dma_wait3A_92 = arith.constant 0 : i32
    %dma_wait3A_93 = tpu.memref_slice %arg6[%dma_wait3A_91, %dma_wait3A_92] : memref<512x128xf32, #tpu.memory_space<vmem>> -> memref<64x128xf32, #tpu.memory_space<vmem>>
    %dma_wait3A_94 = arith.constant 64 : i32
    %dma_wait3A_95 = tpu.memref_slice %arg5[%dma_wait3A_94] : memref<512xi32, #tpu.memory_space<vmem>> -> memref<64xi32, #tpu.memory_space<vmem>>
    %dma_wait3A_96 = arith.constant 0 : i32
    %dma_wait3A_97 = arith.constant 0 : i32
    %dma_wait3A_98 = tpu.memref_slice %arg7[%dma_wait3A_96, %dma_wait3A_97] : memref<1000x128xf32, #tpu.memory_space<vmem_shared>> -> memref<1000x128xf32, #tpu.memory_space<vmem_shared>>
    tpu.wait_indirect_dma semaphore(%arg9 : memref<!tpu.dma_semaphore, #tpu.memory_space<semaphore_mem>>) src(%dma_wait3A_98 : memref<1000x128xf32, #tpu.memory_space<vmem_shared>>) dst(%dma_wait3A_93 : memref<64x128xf32, #tpu.memory_space<vmem>>)
    %add3A_99 = arith.constant 64 : i32
    %add3A_100 = arith.addi %mul3A_2, %add3A_99 : i32
    %dma_start3A_101 = arith.constant 64 : i32
    %dma_start3A_102 = arith.constant 0 : i32
    %dma_start3A_103 = tpu.memref_slice %arg6[%dma_start3A_101, %dma_start3A_102] : memref<512x128xf32, #tpu.memory_space<vmem>> -> memref<64x128xf32, #tpu.memory_space<vmem>>
    %dma_start3A_104 = arith.constant 0 : i32
    %dma_start3A_105 = tpu.memref_slice %arg4[%add3A_100, %dma_start3A_104] : memref<16384x128xf32, #tpu.memory_space<hbm>> -> memref<64x128xf32, #tpu.memory_space<hbm>>
    %dma_start3A_106 = arith.constant 0 : i32
    %dma_start3A_107 = tpu.memref_slice %arg4[%add3A_100, %dma_start3A_106] : memref<16384x128xf32, #tpu.memory_space<hbm>> -> memref<64x128xf32, #tpu.memory_space<hbm>>
    %dma_start3A_108 = arith.constant 64 : i32
    %dma_start3A_109 = arith.constant 0 : i32
    %dma_start3A_110 = tpu.memref_slice %arg6[%dma_start3A_108, %dma_start3A_109] : memref<512x128xf32, #tpu.memory_space<vmem>> -> memref<64x128xf32, #tpu.memory_space<vmem>>
    tpu.enqueue_dma source(%dma_start3A_110 : memref<64x128xf32, #tpu.memory_space<vmem>>) target(%dma_start3A_107 : memref<64x128xf32, #tpu.memory_space<hbm>>) target_semaphore(%arg16 : memref<!tpu.dma_semaphore, #tpu.memory_space<semaphore_mem>>)
    %dma_wait3A_111 = arith.constant 128 : i32
    %dma_wait3A_112 = arith.constant 0 : i32
    %dma_wait3A_113 = tpu.memref_slice %arg6[%dma_wait3A_111, %dma_wait3A_112] : memref<512x128xf32, #tpu.memory_space<vmem>> -> memref<64x128xf32, #tpu.memory_space<vmem>>
    %dma_wait3A_114 = arith.constant 128 : i32
    %dma_wait3A_115 = tpu.memref_slice %arg5[%dma_wait3A_114] : memref<512xi32, #tpu.memory_space<vmem>> -> memref<64xi32, #tpu.memory_space<vmem>>
    %dma_wait3A_116 = arith.constant 0 : i32
    %dma_wait3A_117 = arith.constant 0 : i32
    %dma_wait3A_118 = tpu.memref_slice %arg7[%dma_wait3A_116, %dma_wait3A_117] : memref<1000x128xf32, #tpu.memory_space<vmem_shared>> -> memref<1000x128xf32, #tpu.memory_space<vmem_shared>>
    tpu.wait_indirect_dma semaphore(%arg10 : memref<!tpu.dma_semaphore, #tpu.memory_space<semaphore_mem>>) src(%dma_wait3A_118 : memref<1000x128xf32, #tpu.memory_space<vmem_shared>>) dst(%dma_wait3A_113 : memref<64x128xf32, #tpu.memory_space<vmem>>)
    %add3A_119 = arith.constant 128 : i32
    %add3A_120 = arith.addi %mul3A_2, %add3A_119 : i32
    %dma_start3A_121 = arith.constant 128 : i32
    %dma_start3A_122 = arith.constant 0 : i32
    %dma_start3A_123 = tpu.memref_slice %arg6[%dma_start3A_121, %dma_start3A_122] : memref<512x128xf32, #tpu.memory_space<vmem>> -> memref<64x128xf32, #tpu.memory_space<vmem>>
    %dma_start3A_124 = arith.constant 0 : i32
    %dma_start3A_125 = tpu.memref_slice %arg4[%add3A_120, %dma_start3A_124] : memref<16384x128xf32, #tpu.memory_space<hbm>> -> memref<64x128xf32, #tpu.memory_space<hbm>>
    %dma_start3A_126 = arith.constant 0 : i32
    %dma_start3A_127 = tpu.memref_slice %arg4[%add3A_120, %dma_start3A_126] : memref<16384x128xf32, #tpu.memory_space<hbm>> -> memref<64x128xf32, #tpu.memory_space<hbm>>
    %dma_start3A_128 = arith.constant 128 : i32
    %dma_start3A_129 = arith.constant 0 : i32
    %dma_start3A_130 = tpu.memref_slice %arg6[%dma_start3A_128, %dma_start3A_129] : memref<512x128xf32, #tpu.memory_space<vmem>> -> memref<64x128xf32, #tpu.memory_space<vmem>>
    tpu.enqueue_dma source(%dma_start3A_130 : memref<64x128xf32, #tpu.memory_space<vmem>>) target(%dma_start3A_127 : memref<64x128xf32, #tpu.memory_space<hbm>>) target_semaphore(%arg16 : memref<!tpu.dma_semaphore, #tpu.memory_space<semaphore_mem>>)
    %dma_wait3A_131 = arith.constant 192 : i32
    %dma_wait3A_132 = arith.constant 0 : i32
    %dma_wait3A_133 = tpu.memref_slice %arg6[%dma_wait3A_131, %dma_wait3A_132] : memref<512x128xf32, #tpu.memory_space<vmem>> -> memref<64x128xf32, #tpu.memory_space<vmem>>
    %dma_wait3A_134 = arith.constant 192 : i32
    %dma_wait3A_135 = tpu.memref_slice %arg5[%dma_wait3A_134] : memref<512xi32, #tpu.memory_space<vmem>> -> memref<64xi32, #tpu.memory_space<vmem>>
    %dma_wait3A_136 = arith.constant 0 : i32
    %dma_wait3A_137 = arith.constant 0 : i32
    %dma_wait3A_138 = tpu.memref_slice %arg7[%dma_wait3A_136, %dma_wait3A_137] : memref<1000x128xf32, #tpu.memory_space<vmem_shared>> -> memref<1000x128xf32, #tpu.memory_space<vmem_shared>>
    tpu.wait_indirect_dma semaphore(%arg11 : memref<!tpu.dma_semaphore, #tpu.memory_space<semaphore_mem>>) src(%dma_wait3A_138 : memref<1000x128xf32, #tpu.memory_space<vmem_shared>>) dst(%dma_wait3A_133 : memref<64x128xf32, #tpu.memory_space<vmem>>)
    %add3A_139 = arith.constant 192 : i32
    %add3A_140 = arith.addi %mul3A_2, %add3A_139 : i32
    %dma_start3A_141 = arith.constant 192 : i32
    %dma_start3A_142 = arith.constant 0 : i32
    %dma_start3A_143 = tpu.memref_slice %arg6[%dma_start3A_141, %dma_start3A_142] : memref<512x128xf32, #tpu.memory_space<vmem>> -> memref<64x128xf32, #tpu.memory_space<vmem>>
    %dma_start3A_144 = arith.constant 0 : i32
    %dma_start3A_145 = tpu.memref_slice %arg4[%add3A_140, %dma_start3A_144] : memref<16384x128xf32, #tpu.memory_space<hbm>> -> memref<64x128xf32, #tpu.memory_space<hbm>>
    %dma_start3A_146 = arith.constant 0 : i32
    %dma_start3A_147 = tpu.memref_slice %arg4[%add3A_140, %dma_start3A_146] : memref<16384x128xf32, #tpu.memory_space<hbm>> -> memref<64x128xf32, #tpu.memory_space<hbm>>
    %dma_start3A_148 = arith.constant 192 : i32
    %dma_start3A_149 = arith.constant 0 : i32
    %dma_start3A_150 = tpu.memref_slice %arg6[%dma_start3A_148, %dma_start3A_149] : memref<512x128xf32, #tpu.memory_space<vmem>> -> memref<64x128xf32, #tpu.memory_space<vmem>>
    tpu.enqueue_dma source(%dma_start3A_150 : memref<64x128xf32, #tpu.memory_space<vmem>>) target(%dma_start3A_147 : memref<64x128xf32, #tpu.memory_space<hbm>>) target_semaphore(%arg16 : memref<!tpu.dma_semaphore, #tpu.memory_space<semaphore_mem>>)
    %dma_wait3A_151 = arith.constant 256 : i32
    %dma_wait3A_152 = arith.constant 0 : i32
    %dma_wait3A_153 = tpu.memref_slice %arg6[%dma_wait3A_151, %dma_wait3A_152] : memref<512x128xf32, #tpu.memory_space<vmem>> -> memref<64x128xf32, #tpu.memory_space<vmem>>
    %dma_wait3A_154 = arith.constant 256 : i32
    %dma_wait3A_155 = tpu.memref_slice %arg5[%dma_wait3A_154] : memref<512xi32, #tpu.memory_space<vmem>> -> memref<64xi32, #tpu.memory_space<vmem>>
    %dma_wait3A_156 = arith.constant 0 : i32
    %dma_wait3A_157 = arith.constant 0 : i32
    %dma_wait3A_158 = tpu.memref_slice %arg7[%dma_wait3A_156, %dma_wait3A_157] : memref<1000x128xf32, #tpu.memory_space<vmem_shared>> -> memref<1000x128xf32, #tpu.memory_space<vmem_shared>>
    tpu.wait_indirect_dma semaphore(%arg12 : memref<!tpu.dma_semaphore, #tpu.memory_space<semaphore_mem>>) src(%dma_wait3A_158 : memref<1000x128xf32, #tpu.memory_space<vmem_shared>>) dst(%dma_wait3A_153 : memref<64x128xf32, #tpu.memory_space<vmem>>)
    %add3A_159 = arith.constant 256 : i32
    %add3A_160 = arith.addi %mul3A_2, %add3A_159 : i32
    %dma_start3A_161 = arith.constant 256 : i32
    %dma_start3A_162 = arith.constant 0 : i32
    %dma_start3A_163 = tpu.memref_slice %arg6[%dma_start3A_161, %dma_start3A_162] : memref<512x128xf32, #tpu.memory_space<vmem>> -> memref<64x128xf32, #tpu.memory_space<vmem>>
    %dma_start3A_164 = arith.constant 0 : i32
    %dma_start3A_165 = tpu.memref_slice %arg4[%add3A_160, %dma_start3A_164] : memref<16384x128xf32, #tpu.memory_space<hbm>> -> memref<64x128xf32, #tpu.memory_space<hbm>>
    %dma_start3A_166 = arith.constant 0 : i32
    %dma_start3A_167 = tpu.memref_slice %arg4[%add3A_160, %dma_start3A_166] : memref<16384x128xf32, #tpu.memory_space<hbm>> -> memref<64x128xf32, #tpu.memory_space<hbm>>
    %dma_start3A_168 = arith.constant 256 : i32
    %dma_start3A_169 = arith.constant 0 : i32
    %dma_start3A_170 = tpu.memref_slice %arg6[%dma_start3A_168, %dma_start3A_169] : memref<512x128xf32, #tpu.memory_space<vmem>> -> memref<64x128xf32, #tpu.memory_space<vmem>>
    tpu.enqueue_dma source(%dma_start3A_170 : memref<64x128xf32, #tpu.memory_space<vmem>>) target(%dma_start3A_167 : memref<64x128xf32, #tpu.memory_space<hbm>>) target_semaphore(%arg16 : memref<!tpu.dma_semaphore, #tpu.memory_space<semaphore_mem>>)
    %dma_wait3A_171 = arith.constant 320 : i32
    %dma_wait3A_172 = arith.constant 0 : i32
    %dma_wait3A_173 = tpu.memref_slice %arg6[%dma_wait3A_171, %dma_wait3A_172] : memref<512x128xf32, #tpu.memory_space<vmem>> -> memref<64x128xf32, #tpu.memory_space<vmem>>
    %dma_wait3A_174 = arith.constant 320 : i32
    %dma_wait3A_175 = tpu.memref_slice %arg5[%dma_wait3A_174] : memref<512xi32, #tpu.memory_space<vmem>> -> memref<64xi32, #tpu.memory_space<vmem>>
    %dma_wait3A_176 = arith.constant 0 : i32
    %dma_wait3A_177 = arith.constant 0 : i32
    %dma_wait3A_178 = tpu.memref_slice %arg7[%dma_wait3A_176, %dma_wait3A_177] : memref<1000x128xf32, #tpu.memory_space<vmem_shared>> -> memref<1000x128xf32, #tpu.memory_space<vmem_shared>>
    tpu.wait_indirect_dma semaphore(%arg13 : memref<!tpu.dma_semaphore, #tpu.memory_space<semaphore_mem>>) src(%dma_wait3A_178 : memref<1000x128xf32, #tpu.memory_space<vmem_shared>>) dst(%dma_wait3A_173 : memref<64x128xf32, #tpu.memory_space<vmem>>)
    %add3A_179 = arith.constant 320 : i32
    %add3A_180 = arith.addi %mul3A_2, %add3A_179 : i32
    %dma_start3A_181 = arith.constant 320 : i32
    %dma_start3A_182 = arith.constant 0 : i32
    %dma_start3A_183 = tpu.memref_slice %arg6[%dma_start3A_181, %dma_start3A_182] : memref<512x128xf32, #tpu.memory_space<vmem>> -> memref<64x128xf32, #tpu.memory_space<vmem>>
    %dma_start3A_184 = arith.constant 0 : i32
    %dma_start3A_185 = tpu.memref_slice %arg4[%add3A_180, %dma_start3A_184] : memref<16384x128xf32, #tpu.memory_space<hbm>> -> memref<64x128xf32, #tpu.memory_space<hbm>>
    %dma_start3A_186 = arith.constant 0 : i32
    %dma_start3A_187 = tpu.memref_slice %arg4[%add3A_180, %dma_start3A_186] : memref<16384x128xf32, #tpu.memory_space<hbm>> -> memref<64x128xf32, #tpu.memory_space<hbm>>
    %dma_start3A_188 = arith.constant 320 : i32
    %dma_start3A_189 = arith.constant 0 : i32
    %dma_start3A_190 = tpu.memref_slice %arg6[%dma_start3A_188, %dma_start3A_189] : memref<512x128xf32, #tpu.memory_space<vmem>> -> memref<64x128xf32, #tpu.memory_space<vmem>>
    tpu.enqueue_dma source(%dma_start3A_190 : memref<64x128xf32, #tpu.memory_space<vmem>>) target(%dma_start3A_187 : memref<64x128xf32, #tpu.memory_space<hbm>>) target_semaphore(%arg16 : memref<!tpu.dma_semaphore, #tpu.memory_space<semaphore_mem>>)
    %dma_wait3A_191 = arith.constant 384 : i32
    %dma_wait3A_192 = arith.constant 0 : i32
    %dma_wait3A_193 = tpu.memref_slice %arg6[%dma_wait3A_191, %dma_wait3A_192] : memref<512x128xf32, #tpu.memory_space<vmem>> -> memref<64x128xf32, #tpu.memory_space<vmem>>
    %dma_wait3A_194 = arith.constant 384 : i32
    %dma_wait3A_195 = tpu.memref_slice %arg5[%dma_wait3A_194] : memref<512xi32, #tpu.memory_space<vmem>> -> memref<64xi32, #tpu.memory_space<vmem>>
    %dma_wait3A_196 = arith.constant 0 : i32
    %dma_wait3A_197 = arith.constant 0 : i32
    %dma_wait3A_198 = tpu.memref_slice %arg7[%dma_wait3A_196, %dma_wait3A_197] : memref<1000x128xf32, #tpu.memory_space<vmem_shared>> -> memref<1000x128xf32, #tpu.memory_space<vmem_shared>>
    tpu.wait_indirect_dma semaphore(%arg14 : memref<!tpu.dma_semaphore, #tpu.memory_space<semaphore_mem>>) src(%dma_wait3A_198 : memref<1000x128xf32, #tpu.memory_space<vmem_shared>>) dst(%dma_wait3A_193 : memref<64x128xf32, #tpu.memory_space<vmem>>)
    %add3A_199 = arith.constant 384 : i32
    %add3A_200 = arith.addi %mul3A_2, %add3A_199 : i32
    %dma_start3A_201 = arith.constant 384 : i32
    %dma_start3A_202 = arith.constant 0 : i32
    %dma_start3A_203 = tpu.memref_slice %arg6[%dma_start3A_201, %dma_start3A_202] : memref<512x128xf32, #tpu.memory_space<vmem>> -> memref<64x128xf32, #tpu.memory_space<vmem>>
    %dma_start3A_204 = arith.constant 0 : i32
    %dma_start3A_205 = tpu.memref_slice %arg4[%add3A_200, %dma_start3A_204] : memref<16384x128xf32, #tpu.memory_space<hbm>> -> memref<64x128xf32, #tpu.memory_space<hbm>>
    %dma_start3A_206 = arith.constant 0 : i32
    %dma_start3A_207 = tpu.memref_slice %arg4[%add3A_200, %dma_start3A_206] : memref<16384x128xf32, #tpu.memory_space<hbm>> -> memref<64x128xf32, #tpu.memory_space<hbm>>
    %dma_start3A_208 = arith.constant 384 : i32
    %dma_start3A_209 = arith.constant 0 : i32
    %dma_start3A_210 = tpu.memref_slice %arg6[%dma_start3A_208, %dma_start3A_209] : memref<512x128xf32, #tpu.memory_space<vmem>> -> memref<64x128xf32, #tpu.memory_space<vmem>>
    tpu.enqueue_dma source(%dma_start3A_210 : memref<64x128xf32, #tpu.memory_space<vmem>>) target(%dma_start3A_207 : memref<64x128xf32, #tpu.memory_space<hbm>>) target_semaphore(%arg16 : memref<!tpu.dma_semaphore, #tpu.memory_space<semaphore_mem>>)
    %dma_wait3A_211 = arith.constant 448 : i32
    %dma_wait3A_212 = arith.constant 0 : i32
    %dma_wait3A_213 = tpu.memref_slice %arg6[%dma_wait3A_211, %dma_wait3A_212] : memref<512x128xf32, #tpu.memory_space<vmem>> -> memref<64x128xf32, #tpu.memory_space<vmem>>
    %dma_wait3A_214 = arith.constant 448 : i32
    %dma_wait3A_215 = tpu.memref_slice %arg5[%dma_wait3A_214] : memref<512xi32, #tpu.memory_space<vmem>> -> memref<64xi32, #tpu.memory_space<vmem>>
    %dma_wait3A_216 = arith.constant 0 : i32
    %dma_wait3A_217 = arith.constant 0 : i32
    %dma_wait3A_218 = tpu.memref_slice %arg7[%dma_wait3A_216, %dma_wait3A_217] : memref<1000x128xf32, #tpu.memory_space<vmem_shared>> -> memref<1000x128xf32, #tpu.memory_space<vmem_shared>>
    tpu.wait_indirect_dma semaphore(%arg15 : memref<!tpu.dma_semaphore, #tpu.memory_space<semaphore_mem>>) src(%dma_wait3A_218 : memref<1000x128xf32, #tpu.memory_space<vmem_shared>>) dst(%dma_wait3A_213 : memref<64x128xf32, #tpu.memory_space<vmem>>)
    %add3A_219 = arith.constant 448 : i32
    %add3A_220 = arith.addi %mul3A_2, %add3A_219 : i32
    %dma_start3A_221 = arith.constant 448 : i32
    %dma_start3A_222 = arith.constant 0 : i32
    %dma_start3A_223 = tpu.memref_slice %arg6[%dma_start3A_221, %dma_start3A_222] : memref<512x128xf32, #tpu.memory_space<vmem>> -> memref<64x128xf32, #tpu.memory_space<vmem>>
    %dma_start3A_224 = arith.constant 0 : i32
    %dma_start3A_225 = tpu.memref_slice %arg4[%add3A_220, %dma_start3A_224] : memref<16384x128xf32, #tpu.memory_space<hbm>> -> memref<64x128xf32, #tpu.memory_space<hbm>>
    %dma_start3A_226 = arith.constant 0 : i32
    %dma_start3A_227 = tpu.memref_slice %arg4[%add3A_220, %dma_start3A_226] : memref<16384x128xf32, #tpu.memory_space<hbm>> -> memref<64x128xf32, #tpu.memory_space<hbm>>
    %dma_start3A_228 = arith.constant 448 : i32
    %dma_start3A_229 = arith.constant 0 : i32
    %dma_start3A_230 = tpu.memref_slice %arg6[%dma_start3A_228, %dma_start3A_229] : memref<512x128xf32, #tpu.memory_space<vmem>> -> memref<64x128xf32, #tpu.memory_space<vmem>>
    tpu.enqueue_dma source(%dma_start3A_230 : memref<64x128xf32, #tpu.memory_space<vmem>>) target(%dma_start3A_227 : memref<64x128xf32, #tpu.memory_space<hbm>>) target_semaphore(%arg16 : memref<!tpu.dma_semaphore, #tpu.memory_space<semaphore_mem>>)
    %dma_wait3A_231 = arith.constant 0 : i32
    %dma_wait3A_232 = arith.constant 0 : i32
    %dma_wait3A_233 = tpu.memref_slice %arg6[%dma_wait3A_231, %dma_wait3A_232] : memref<512x128xf32, #tpu.memory_space<vmem>> -> memref<64x128xf32, #tpu.memory_space<vmem>>
    %dma_wait3A_234 = arith.constant 0 : i32
    %dma_wait3A_235 = tpu.memref_slice %arg4[%add3A_80, %dma_wait3A_234] : memref<16384x128xf32, #tpu.memory_space<hbm>> -> memref<64x128xf32, #tpu.memory_space<hbm>>
    %dma_wait3A_236 = arith.constant 0 : i32
    %dma_wait3A_237 = tpu.memref_slice %arg4[%add3A_80, %dma_wait3A_236] : memref<16384x128xf32, #tpu.memory_space<hbm>> -> memref<64x128xf32, #tpu.memory_space<hbm>>
    %dma_wait3A_238 = arith.constant 0 : i32
    %dma_wait3A_239 = arith.constant 0 : i32
    %dma_wait3A_240 = tpu.memref_slice %arg6[%dma_wait3A_238, %dma_wait3A_239] : memref<512x128xf32, #tpu.memory_space<vmem>> -> memref<64x128xf32, #tpu.memory_space<vmem>>
    tpu.wait_dma2 semaphore(%arg16 : memref<!tpu.dma_semaphore, #tpu.memory_space<semaphore_mem>>) src(%dma_wait3A_240 : memref<64x128xf32, #tpu.memory_space<vmem>>) dst(%dma_wait3A_237 : memref<64x128xf32, #tpu.memory_space<hbm>>)
    %dma_wait3A_241 = arith.constant 64 : i32
    %dma_wait3A_242 = arith.constant 0 : i32
    %dma_wait3A_243 = tpu.memref_slice %arg6[%dma_wait3A_241, %dma_wait3A_242] : memref<512x128xf32, #tpu.memory_space<vmem>> -> memref<64x128xf32, #tpu.memory_space<vmem>>
    %dma_wait3A_244 = arith.constant 0 : i32
    %dma_wait3A_245 = tpu.memref_slice %arg4[%add3A_100, %dma_wait3A_244] : memref<16384x128xf32, #tpu.memory_space<hbm>> -> memref<64x128xf32, #tpu.memory_space<hbm>>
    %dma_wait3A_246 = arith.constant 0 : i32
    %dma_wait3A_247 = tpu.memref_slice %arg4[%add3A_100, %dma_wait3A_246] : memref<16384x128xf32, #tpu.memory_space<hbm>> -> memref<64x128xf32, #tpu.memory_space<hbm>>
    %dma_wait3A_248 = arith.constant 64 : i32
    %dma_wait3A_249 = arith.constant 0 : i32
    %dma_wait3A_250 = tpu.memref_slice %arg6[%dma_wait3A_248, %dma_wait3A_249] : memref<512x128xf32, #tpu.memory_space<vmem>> -> memref<64x128xf32, #tpu.memory_space<vmem>>
    tpu.wait_dma2 semaphore(%arg16 : memref<!tpu.dma_semaphore, #tpu.memory_space<semaphore_mem>>) src(%dma_wait3A_250 : memref<64x128xf32, #tpu.memory_space<vmem>>) dst(%dma_wait3A_247 : memref<64x128xf32, #tpu.memory_space<hbm>>)
    %dma_wait3A_251 = arith.constant 128 : i32
    %dma_wait3A_252 = arith.constant 0 : i32
    %dma_wait3A_253 = tpu.memref_slice %arg6[%dma_wait3A_251, %dma_wait3A_252] : memref<512x128xf32, #tpu.memory_space<vmem>> -> memref<64x128xf32, #tpu.memory_space<vmem>>
    %dma_wait3A_254 = arith.constant 0 : i32
    %dma_wait3A_255 = tpu.memref_slice %arg4[%add3A_120, %dma_wait3A_254] : memref<16384x128xf32, #tpu.memory_space<hbm>> -> memref<64x128xf32, #tpu.memory_space<hbm>>
    %dma_wait3A_256 = arith.constant 0 : i32
    %dma_wait3A_257 = tpu.memref_slice %arg4[%add3A_120, %dma_wait3A_256] : memref<16384x128xf32, #tpu.memory_space<hbm>> -> memref<64x128xf32, #tpu.memory_space<hbm>>
    %dma_wait3A_258 = arith.constant 128 : i32
    %dma_wait3A_259 = arith.constant 0 : i32
    %dma_wait3A_260 = tpu.memref_slice %arg6[%dma_wait3A_258, %dma_wait3A_259] : memref<512x128xf32, #tpu.memory_space<vmem>> -> memref<64x128xf32, #tpu.memory_space<vmem>>
    tpu.wait_dma2 semaphore(%arg16 : memref<!tpu.dma_semaphore, #tpu.memory_space<semaphore_mem>>) src(%dma_wait3A_260 : memref<64x128xf32, #tpu.memory_space<vmem>>) dst(%dma_wait3A_257 : memref<64x128xf32, #tpu.memory_space<hbm>>)
    %dma_wait3A_261 = arith.constant 192 : i32
    %dma_wait3A_262 = arith.constant 0 : i32
    %dma_wait3A_263 = tpu.memref_slice %arg6[%dma_wait3A_261, %dma_wait3A_262] : memref<512x128xf32, #tpu.memory_space<vmem>> -> memref<64x128xf32, #tpu.memory_space<vmem>>
    %dma_wait3A_264 = arith.constant 0 : i32
    %dma_wait3A_265 = tpu.memref_slice %arg4[%add3A_140, %dma_wait3A_264] : memref<16384x128xf32, #tpu.memory_space<hbm>> -> memref<64x128xf32, #tpu.memory_space<hbm>>
    %dma_wait3A_266 = arith.constant 0 : i32
    %dma_wait3A_267 = tpu.memref_slice %arg4[%add3A_140, %dma_wait3A_266] : memref<16384x128xf32, #tpu.memory_space<hbm>> -> memref<64x128xf32, #tpu.memory_space<hbm>>
    %dma_wait3A_268 = arith.constant 192 : i32
    %dma_wait3A_269 = arith.constant 0 : i32
    %dma_wait3A_270 = tpu.memref_slice %arg6[%dma_wait3A_268, %dma_wait3A_269] : memref<512x128xf32, #tpu.memory_space<vmem>> -> memref<64x128xf32, #tpu.memory_space<vmem>>
    tpu.wait_dma2 semaphore(%arg16 : memref<!tpu.dma_semaphore, #tpu.memory_space<semaphore_mem>>) src(%dma_wait3A_270 : memref<64x128xf32, #tpu.memory_space<vmem>>) dst(%dma_wait3A_267 : memref<64x128xf32, #tpu.memory_space<hbm>>)
    %dma_wait3A_271 = arith.constant 256 : i32
    %dma_wait3A_272 = arith.constant 0 : i32
    %dma_wait3A_273 = tpu.memref_slice %arg6[%dma_wait3A_271, %dma_wait3A_272] : memref<512x128xf32, #tpu.memory_space<vmem>> -> memref<64x128xf32, #tpu.memory_space<vmem>>
    %dma_wait3A_274 = arith.constant 0 : i32
    %dma_wait3A_275 = tpu.memref_slice %arg4[%add3A_160, %dma_wait3A_274] : memref<16384x128xf32, #tpu.memory_space<hbm>> -> memref<64x128xf32, #tpu.memory_space<hbm>>
    %dma_wait3A_276 = arith.constant 0 : i32
    %dma_wait3A_277 = tpu.memref_slice %arg4[%add3A_160, %dma_wait3A_276] : memref<16384x128xf32, #tpu.memory_space<hbm>> -> memref<64x128xf32, #tpu.memory_space<hbm>>
    %dma_wait3A_278 = arith.constant 256 : i32
    %dma_wait3A_279 = arith.constant 0 : i32
    %dma_wait3A_280 = tpu.memref_slice %arg6[%dma_wait3A_278, %dma_wait3A_279] : memref<512x128xf32, #tpu.memory_space<vmem>> -> memref<64x128xf32, #tpu.memory_space<vmem>>
    tpu.wait_dma2 semaphore(%arg16 : memref<!tpu.dma_semaphore, #tpu.memory_space<semaphore_mem>>) src(%dma_wait3A_280 : memref<64x128xf32, #tpu.memory_space<vmem>>) dst(%dma_wait3A_277 : memref<64x128xf32, #tpu.memory_space<hbm>>)
    %dma_wait3A_281 = arith.constant 320 : i32
    %dma_wait3A_282 = arith.constant 0 : i32
    %dma_wait3A_283 = tpu.memref_slice %arg6[%dma_wait3A_281, %dma_wait3A_282] : memref<512x128xf32, #tpu.memory_space<vmem>> -> memref<64x128xf32, #tpu.memory_space<vmem>>
    %dma_wait3A_284 = arith.constant 0 : i32
    %dma_wait3A_285 = tpu.memref_slice %arg4[%add3A_180, %dma_wait3A_284] : memref<16384x128xf32, #tpu.memory_space<hbm>> -> memref<64x128xf32, #tpu.memory_space<hbm>>
    %dma_wait3A_286 = arith.constant 0 : i32
    %dma_wait3A_287 = tpu.memref_slice %arg4[%add3A_180, %dma_wait3A_286] : memref<16384x128xf32, #tpu.memory_space<hbm>> -> memref<64x128xf32, #tpu.memory_space<hbm>>
    %dma_wait3A_288 = arith.constant 320 : i32
    %dma_wait3A_289 = arith.constant 0 : i32
    %dma_wait3A_290 = tpu.memref_slice %arg6[%dma_wait3A_288, %dma_wait3A_289] : memref<512x128xf32, #tpu.memory_space<vmem>> -> memref<64x128xf32, #tpu.memory_space<vmem>>
    tpu.wait_dma2 semaphore(%arg16 : memref<!tpu.dma_semaphore, #tpu.memory_space<semaphore_mem>>) src(%dma_wait3A_290 : memref<64x128xf32, #tpu.memory_space<vmem>>) dst(%dma_wait3A_287 : memref<64x128xf32, #tpu.memory_space<hbm>>)
    %dma_wait3A_291 = arith.constant 384 : i32
    %dma_wait3A_292 = arith.constant 0 : i32
    %dma_wait3A_293 = tpu.memref_slice %arg6[%dma_wait3A_291, %dma_wait3A_292] : memref<512x128xf32, #tpu.memory_space<vmem>> -> memref<64x128xf32, #tpu.memory_space<vmem>>
    %dma_wait3A_294 = arith.constant 0 : i32
    %dma_wait3A_295 = tpu.memref_slice %arg4[%add3A_200, %dma_wait3A_294] : memref<16384x128xf32, #tpu.memory_space<hbm>> -> memref<64x128xf32, #tpu.memory_space<hbm>>
    %dma_wait3A_296 = arith.constant 0 : i32
    %dma_wait3A_297 = tpu.memref_slice %arg4[%add3A_200, %dma_wait3A_296] : memref<16384x128xf32, #tpu.memory_space<hbm>> -> memref<64x128xf32, #tpu.memory_space<hbm>>
    %dma_wait3A_298 = arith.constant 384 : i32
    %dma_wait3A_299 = arith.constant 0 : i32
    %dma_wait3A_300 = tpu.memref_slice %arg6[%dma_wait3A_298, %dma_wait3A_299] : memref<512x128xf32, #tpu.memory_space<vmem>> -> memref<64x128xf32, #tpu.memory_space<vmem>>
    tpu.wait_dma2 semaphore(%arg16 : memref<!tpu.dma_semaphore, #tpu.memory_space<semaphore_mem>>) src(%dma_wait3A_300 : memref<64x128xf32, #tpu.memory_space<vmem>>) dst(%dma_wait3A_297 : memref<64x128xf32, #tpu.memory_space<hbm>>)
    %dma_wait3A_301 = arith.constant 448 : i32
    %dma_wait3A_302 = arith.constant 0 : i32
    %dma_wait3A_303 = tpu.memref_slice %arg6[%dma_wait3A_301, %dma_wait3A_302] : memref<512x128xf32, #tpu.memory_space<vmem>> -> memref<64x128xf32, #tpu.memory_space<vmem>>
    %dma_wait3A_304 = arith.constant 0 : i32
    %dma_wait3A_305 = tpu.memref_slice %arg4[%add3A_220, %dma_wait3A_304] : memref<16384x128xf32, #tpu.memory_space<hbm>> -> memref<64x128xf32, #tpu.memory_space<hbm>>
    %dma_wait3A_306 = arith.constant 0 : i32
    %dma_wait3A_307 = tpu.memref_slice %arg4[%add3A_220, %dma_wait3A_306] : memref<16384x128xf32, #tpu.memory_space<hbm>> -> memref<64x128xf32, #tpu.memory_space<hbm>>
    %dma_wait3A_308 = arith.constant 448 : i32
    %dma_wait3A_309 = arith.constant 0 : i32
    %dma_wait3A_310 = tpu.memref_slice %arg6[%dma_wait3A_308, %dma_wait3A_309] : memref<512x128xf32, #tpu.memory_space<vmem>> -> memref<64x128xf32, #tpu.memory_space<vmem>>
    tpu.wait_dma2 semaphore(%arg16 : memref<!tpu.dma_semaphore, #tpu.memory_space<semaphore_mem>>) src(%dma_wait3A_310 : memref<64x128xf32, #tpu.memory_space<vmem>>) dst(%dma_wait3A_307 : memref<64x128xf32, #tpu.memory_space<hbm>>)
    return
  }
}

</mosaic_0001>

<sc_bundles>
// kernel: kernel.3.cloned.1.call-start
scs
__scs_entry_jumppad:
0x0: {  	(pc) =	sbr.rel $0x88, $3  }
0x1: {  	(tag) =	ssettag $0x0;
	lr =	simm.s32 $0x1  }
0x2: {  	[smem:$0x3F9F] =	sst lr;
	_ =	strace $0xD0000000  }
0x3: {  	_ = 	snop  }
0x4: {  	_ = 	snop  }
0x5: {  	_ = 	snop  }
0x6: {  	_ = 	snop  }
0x7: {  	_ = 	snop  }
__scs_overlays_trampoline_lowered:
0x8: {  	[smem:$0x3FAE] =	sst s0  }
0x9: {  	[smem:$0x3FAF] =	sst s1  }
0xa: {  	[smem:$0x3FB0] =	sst s2  }
0xb: {  	[smem:$0x3FB1] =	sst s3  }
0xc: {  	[smem:$0x3FB2] =	sst s4  }
0xd: {  	[smem:$0x3FB3] =	sst s5  }
0xe: {  	[smem:$0x3FB4] =	sst s6  }
0xf: {  	[smem:$0x3FB5] =	sst s7  }
0x10: {  	[smem:$0x3FB6] =	sst s8  }
0x11: {  	[smem:$0x3FB7] =	sst s9;
	s0 =	simm.s32 @!p0 $0x0  }
0x12: {  	s1 =	sld [smem:$0x3F9D];
	s0 =	simm.s32 @p0 $0x1  }
0x13: {  	[smem:$0x3FB8] =	sst s0;
	s0 =	simm.s32 @!p1 $0x0  }
0x14: {  	s2 =	sld [smem:$0x3F9C];
	s0 =	simm.s32 @p1 $0x1  }
0x15: {  	[smem:$0x3FB9] =	sst s0;
	s0 =	simm.s32 @!p2 $0x0  }
0x16: {  	s3 =	sld [smem:$0x3FDB];
	s0 =	simm.s32 @p2 $0x1  }
0x17: {  	s4 =	simm.s32 $0x1BF5;
	[smem:$0x3FBB] =	sst s0  }
0x18: {  	s0 =	sld [smem:$0x3F9E];
	_ =	swait.ge [sflag:s4], $0x0  }
0x19: {  	s7 =	sld [smem:$0x3F9F]  }
0x1a: {  	s8 =	sadd.s32 $0xFFFFE003, lr  }
0x1b: {  	s9 =	sadd.s32 $0xFFFFFEF7, lr;
	s5 =	simm.s32 $0xFFFFFFFF;
	p2 =	slt.u32 s8, $0xFFFFF086  }
0x1c: {  	p1 =	slt.u32 s9, $0xF7A;
	s5 =	simm.s32 @!p2 $0x0  }
0x1d: {  	s5 =	simm.s32 @p1 $0x1;
	p0 =	seq.s32 s7, s2  }
0x1e: {  	s7 =	smul.u32 @!p0 $0xF7A, s2;
	p2 =	seq.s32 @!p0 s5, $0x0  }
0x1f: {  	s9 =	smul.u32 $0xF7A, s1;
	s8 =	simm.s32 @!p0 $0x1BF5;
	p2 =	por !p2, p0  }
0x20: {  	[sflag:s8] =	ssyncset.s32 @!p0 $0xFFFFF086;
	s6 =	sadd.s32 @!p0 s3, s7;
	s7 =	simm.s32 @!p0 $0x108  }
0x21: {  	s3 =	sadd.s32 s3, s9;
	s6 =	sadd.s32 @!p0 $0x88, s6;
	s7 =	simm.s32 @p2 $0x1082  }
0x22: {  	[simem:s7], [sflag:s8] =	dma.local @!p0 [hbm:s6], $0xF7A  }
0x23: {  	s9 =	sor.u32 $0xD0000000, s2;
	s6 =	simm.s32 $0x108;
	_ =	swait.ge @!p0 [sflag:s8], $0x0  }
0x24: {  	s3 =	sadd.s32 $0x88, s3;
	s6 =	simm.s32 @!p1 $0x1082;
	[sflag:s4] =	ssyncset.s32 $0xFFFFF086  }
0x25: {  	[simem:s6], [sflag:s4] =	dma.local [hbm:s3], $0xF7A  }
0x26: {  	[smem:$0x3F9F] =	sst s1;
	(tag) =	ssettag s2;
	_ =	strace s9  }
0x27: {  	s1 =	sld [smem:$0x3FAF]  }
0x28: {  	s2 =	sld [smem:$0x3FB0]  }
0x29: {  	s4 =	sld [smem:$0x3FB2]  }
0x2a: {  	p0 =	seq.s32 s5, $0x0;
	s5 =	sld [smem:$0x3FB3]  }
0x2b: {  	s6 =	sld [smem:$0x3FB4]  }
0x2c: {  	s7 =	sld [smem:$0x3FB5]  }
0x2d: {  	s3 =	simm.s32 $0x108;
	s8 =	sld [smem:$0x3FB6]  }
0x2e: {  	s3 =	simm.s32 @!p0 $0x1082;
	s9 =	sld [smem:$0x3FB7]  }
0x2f: {  	lr =	sadd.s32 s0, s3;
	s0 =	sld [smem:$0x3FAE]  }
0x30: {  	s3 =	sld [smem:$0x3FB1]  }
0x31: {  	[smem:$0x3FBA] =	sst s10  }
0x32: {  	s10 =	sld [smem:$0x3FB8];
	_ =	sdelay $0x3  }
0x33: {  	p0 =	seq.s32 s10, $0x1;
	s10 =	sld [smem:$0x3FBA];
	_ =	sdelay $0x3  }
0x34: {  	[smem:$0x3FBA] =	sst s10  }
0x35: {  	s10 =	sld [smem:$0x3FB9];
	_ =	sdelay $0x3  }
0x36: {  	p1 =	seq.s32 s10, $0x1;
	s10 =	sld [smem:$0x3FBA];
	_ =	sdelay $0x3  }
0x37: {  	[smem:$0x3FBA] =	sst s10  }
0x38: {  	s10 =	sld [smem:$0x3FBB]  }
0x39: {  	_ = 	snop;
	(pc) =	sbr.ind lr, $3  }
0x3a: {  	_ = 	snop  }
0x3b: {  	_ = 	snop  }
0x3c: {  	p2 =	seq.s32 s10, $0x1;
	s10 =	sld [smem:$0x3FBA]  }
0x3d: {  	_ =	shalt  }
0x3e: {  	_ =	shalt  }
0x3f: {  	_ =	shalt  }
0x40: {  	_ =	shalt  }
0x41: {  	_ =	shalt  }
0x42: {  	_ =	shalt  }
0x43: {  	_ =	shalt  }
0x44: {  	_ =	shalt  }
0x45: {  	_ =	shalt  }
0x46: {  	_ =	shalt  }
0x47: {  	_ =	shalt  }
0x48: {  	_ =	shalt  }
0x49: {  	_ =	shalt  }
0x4a: {  	_ =	shalt  }
0x4b: {  	_ =	shalt  }
0x4c: {  	_ =	shalt  }
0x4d: {  	_ =	shalt  }
0x4e: {  	_ =	shalt  }
0x4f: {  	_ =	shalt  }
0x50: {  	_ =	shalt  }
0x51: {  	_ =	shalt  }
0x52: {  	_ =	shalt  }
0x53: {  	_ =	shalt  }
0x54: {  	_ =	shalt  }
0x55: {  	_ =	shalt  }
0x56: {  	_ =	shalt  }
0x57: {  	_ =	shalt  }
0x58: {  	_ =	shalt  }
0x59: {  	_ =	shalt  }
0x5a: {  	_ =	shalt  }
0x5b: {  	_ =	shalt  }
0x5c: {  	_ =	shalt  }
0x5d: {  	_ =	shalt  }
0x5e: {  	_ =	shalt  }
0x5f: {  	_ =	shalt  }
0x60: {  	_ =	shalt  }
0x61: {  	_ =	shalt  }
0x62: {  	_ =	shalt  }
0x63: {  	_ =	shalt  }
0x64: {  	_ =	shalt  }
0x65: {  	_ =	shalt  }
0x66: {  	_ =	shalt  }
0x67: {  	_ =	shalt  }
0x68: {  	_ =	shalt  }
0x69: {  	_ =	shalt  }
0x6a: {  	_ =	shalt  }
0x6b: {  	_ =	shalt  }
0x6c: {  	_ =	shalt  }
0x6d: {  	_ =	shalt  }
0x6e: {  	_ =	shalt  }
0x6f: {  	_ =	shalt  }
0x70: {  	_ =	shalt  }
0x71: {  	_ =	shalt  }
0x72: {  	_ =	shalt  }
0x73: {  	_ =	shalt  }
0x74: {  	_ =	shalt  }
0x75: {  	_ =	shalt  }
0x76: {  	_ =	shalt  }
0x77: {  	_ =	shalt  }
0x78: {  	_ =	shalt  }
0x79: {  	_ =	shalt  }
0x7a: {  	_ =	shalt  }
0x7b: {  	_ =	shalt  }
0x7c: {  	_ =	shalt  }
0x7d: {  	_ =	shalt  }
0x7e: {  	_ =	shalt  }
0x7f: {  	_ =	shalt  }
0x80: {  	_ =	shalt  }
0x81: {  	_ =	shalt  }
0x82: {  	_ =	shalt  }
0x83: {  	_ =	shalt  }
0x84: {  	_ =	shalt  }
0x85: {  	_ =	shalt  }
0x86: {  	_ =	shalt  }
0x87: {  	_ =	shalt  }
.Lfunc_end0:
.L_simem_size_0:
called_computation_lowered:
.L_overlay_start_0:
0x88: {  	s2 =	sld [smem:$0x3FD9]  }
0x89: {  	s3 =	sld [smem:$0x3FFE];
	_ =	sdelay $0x1  }
0x8a: {  	s1 =	srdreg.scid  }
0x8b: {  	s0 =	sand.u32 $0x1, s1  }
0x8c: {  	s18 =	sshll.u32 s0, $0xA;
	s2 =	sadd.s32 s3, s2  }
0x8d: {  	s2 =	sadd.s32 s2, s18  }
0x8e: {  	[smem:$0x3FC6] =	sst s2  }
0x8f: {  	_ = 	snop  }
0x90: {  	s2 =	sld [smem:$0x3FC9]  }
0x91: {  	s19 =	sld [smem:$0x3FC8]  }
0x92: {  	s4 =	sld [smem:$0x3FD0];
	(tm) =	ssettm $0x1  }
0x93: {  	s5 =	sld [smem:$0x3FFB];
	_ =	sdelay $0x3  }
0x94: {  	_ =	strace s5  }
0x95: {  	s5 =	sld [smem:$0x3FFC];
	_ =	sdelay $0x3  }
0x96: {  	_ =	strace s5  }
0x97: {  	s5 =	sld [smem:$0x3FFD];
	_ =	sdelay $0x3  }
0x98: {  	_ =	strace s5  }
0x99: {  	_ =	strace $0x8FFFFFFF  }
0x9a: {  	s20 =	sld [smem:$0x3FDB];
	_ =	sdelay $0x1  }
0x9b: {  	s6 =	simm.s32 $_scs_section_size  }
0x9c: {  	s7 =	simm.s32 $_size__tile_overlayer_lowered;
	s8 =	simm.s32 $_tile_overlayer_lowered  }
0x9d: {  	s23 =	simm.s32 $0x1BFF;
	s22 =	sshll.u32 s8, $0x1;
	s5 =	sadd.s32 s6, s20  }
0x9e: {  	s9 =	simm.s32 $0x0;
	s21 =	sshll.u32 s7, $0x1;
	s7 =	sadd.s32 s22, s5  }
0x9f: {  	[timem:s9], [sflag:s23] =	dma.local [hbm:s7], s21  }
0xa0: {  	_ =	swait.ge [sflag:s23], s21  }
0xa1: {  	s6 =	ssub.s32 $0x0, s21;
	[sflag:s23] =	ssyncset.done $0x0  }
0xa2: {  	[sflag:s23] =	ssyncadd.s32 s6;
	_ =	sdelay $0x1  }
0xa3: {  	s24 =	simm.s32 $0x1B8B  }
0xa4: {  	_ =	swait.ge [sflag:s24], $0x1  }
0xa5: {  	[sflag:s24] =	ssyncset.done $0x0  }
0xa6: {  	s25 =	simm.s32 $0x1B8E;
	[sflag:s24] =	ssyncadd.s32 $0xFFFFFFFF  }
0xa7: {  	s26 =	simm.s32 $execute0_lowered;
	[smem:$0x3FD2] =	sst s25  }
0xa8: {  	s6 =	sshll.u32 s26, $0x1;
	_ =	strace $0x80000046;
	[dreg:$0x1] =	wrdreg $0xFFFFFFFF  }
0xa9: {  	s28 =	simm.s32 $_size_execute0_lowered;
	s5 =	sadd.s32 s5, s6;
	[dreg:$0x0] =	wrdreg $0x0  }
0xaa: {  	s6 =	sshll.u32 s28, $0x1;
	[dreg:$0x2] =	wrdreg s5  }
0xab: {  	[dreg:$0x3] =	wrdreg s6  }
0xac: {  	[dreg:$0x4] =	wrdreg $0xC0  }
0xad: {  	_ =	task [dreg:s9], $0x5FFFF  }
0xae: {  	[dreg:$0x1] =	wrdreg $0xFFFFFFFF  }
0xaf: {  	[dreg:$0x0] =	wrdreg $0x60  }
0xb0: {  	[dreg:$0x2] =	wrdreg s2  }
0xb1: {  	[dreg:$0x3] =	wrdreg s19  }
0xb2: {  	[dreg:$0x4] =	wrdreg s4  }
0xb3: {  	[dreg:$0x5] =	wrdreg $0x102000  }
0xb4: {  	[dreg:$0x6] =	wrdreg $0x9  }
0xb5: {  	_ =	task.clear_ibuf [dreg:s9], $0x7FFFF;
	_ =	strace $0x90000046  }
0xb6: {  	s29 =	simm.s32 $0x9;
	_ =	strace $0x80000048  }
0xb7: {  	_ =	swait.ge [sflag:s29], $0x1  }
0xb8: {  	[sflag:s29] =	ssyncadd.s32 $0xFFFFFFFF  }
0xb9: {  	_ =	strace $0x90000048  }
0xba: {  	_ =	sfence  }
0xbb: {  	s30 =	sld [smem:$0x0];
	_ =	sdelay $0x2  }
0xbc: {  	s31 =	sshll.u32 s1, $0xD;
	s1 =	sshrl.u32 s1, $0x2  }
0xbd: {  	s3 =	sand.u32 $0x4000, s31;
	s1 =	sadd.s32 s1, s30  }
0xbe: {  	s0 =	sor.u32 s3, s0;
	s1 =	sshll.u32 s1, $0x11  }
0xbf: {  	s0 =	sor.u32 s1, s0  }
0xc0: {  	s0 =	sadd.s32 $0x8F2B, s0  }
0xc1: {  	[sflag:s0] =	ssyncadd.remote.s32 $0x1  }
0xc2: {  	_ =	sfence.sel $0xFFFF  }
0xc3: {  	[dreg:$0x0] =	wrdreg $0xFFFFFFFF;
	(pc) =	sbr.abs _section_cstart, $3  }
0xc4: {  	[dreg:$0x1] =	wrdreg $0xFFFFFFFF  }
0xc5: {  	_ =	task.clear_ibuf [dreg:s9], $0x2FFFF;
	_ =	strace $0x9FFFFFFF  }
0xc6: {  	(tm) =	ssettm $0x7FFFFFFF  }
0xc7: {  	_ =	shalt  }
tec
execute0_lowered:
.L_overlay_start_1:
0x0: {  	(tag) =	ssettag $0x1  }
0x1: {  	s4 =	rddreg [dreg:$0x0]  }
0x2: {  	s5 =	rddreg [dreg:$0x1]  }
0x3: {  	s6 =	rddreg [dreg:$0x2]  }
0x4: {  	s2 =	rddreg [dreg:$0x3];
	s3 =	simm.s32 $0x0;
	s0 =	srdreg.scid  }
0x5: {  	s1 =	stileid.u32;
	s25 =	simm.s32 $0x80;
	s26 =	simm.s32 $0xC0  }
0x6: {  	[smem:$0x7FF] =	sst s3;
	s0 =	sand.u32 $0x1, s0;
	s9 =	sadd.s32 $0x3C00, s5  }
0x7: {  	s7 =	sshll.u32 s1, $0xA;
	_ =	strace $0x80000047;
	[dreg:$0x5] =	wrdreg s9  }
0x8: {  	s10 =	smul.u32 $0x780, s1;
	s8 =	sshll.u32 s0, $0x9;
	[dreg:$0x12] =	wrdreg s25  }
0x9: {  	[dreg:$0x13] =	wrdreg s26;
	s7 =	sor.u32 s8, s7  }
0xa: {  	s5 =	sadd.s32 s5, s10;
	s8 =	sshrl.u32 s7, $0x3;
	s7 =	sshll.u32 s7, $0x4  }
0xb: {  	[dreg:$0x6] =	wrdreg s5;
	s16 =	sadd.s32 s4, s8;
	s4 =	sadd.s32 s6, s7  }
0xc: {  	[dreg:$0x7] =	wrdreg s16;
	s17 =	sadd.s32 $0x400, s4  }
0xd: {  	s19 =	sadd.s32 $0x800, s4;
	[dreg:$0x8] =	wrdreg s17  }
0xe: {  	s20 =	sadd.s32 $0xC00, s4;
	[dreg:$0x9] =	wrdreg s19  }
0xf: {  	p0 =	sgt.u32 s1, $0x7;
	s21 =	sadd.s32 $0x1000, s4;
	[dreg:$0xa] =	wrdreg s20  }
0x10: {  	p1 =	sne.s32 @p0 s1, $0x8;
	s22 =	sadd.s32 $0x1400, s4;
	[dreg:$0xb] =	wrdreg s21  }
0x11: {  	p1 =	por p1, !p0;
	s23 =	sadd.s32 $0x1800, s4;
	[dreg:$0xc] =	wrdreg s22  }
0x12: {  	s7 =	sadd.s32 $0x1E000, s2;
	s24 =	sadd.s32 $0x1C00, s4;
	[dreg:$0xd] =	wrdreg s23  }
0x13: {  	s18 =	smul.u32 $0xF000, s1;
	s5 =	sshrl.u32 @!p1 s7, $0x3;
	[dreg:$0xe] =	wrdreg s24  }
0x14: {  	s7 =	sshll.u32 @!p0 s1, $0x6;
	[dreg:$0xf] =	wrdreg s5  }
0x15: {  	s6 =	sshrl.u32 s18, $0x2;
	s5 =	sor.u32 @!p0 $0x1C0A, s7;
	s7 =	rddreg [dreg:$0x5]  }
0x16: {  	s6 =	sadd.s32 s6, s2;
	[dreg:$0x10] =	wrdreg s5  }
0x17: {  	s5 =	sshrl.u32 @!p0 s6, $0x3;
	s8 =	rddreg [dreg:$0xf]  }
0x18: {  	s1 =	simm.s32 @!p1 $0x1E0A;
	s6 =	simm.s32 @!p1 $0xA;
	[dreg:$0x11] =	wrdreg s5  }
0x19: {  	[spmem:s8], [sflag:s1] =	dma.local @!p1 [hbm:s7], $0x280  }
0x1a: {  	_ =	swait.ge @!p1 [sflag:s6], $0x280  }
0x1b: {  	s8 =	rddreg [dreg:$0x11]  }
0x1c: {  	s9 =	rddreg [dreg:$0x6];
	[sflag:s6] =	ssyncset.done @!p1 $0x0  }
0x1d: {  	s7 =	simm.s32 @!p0 $0xA;
	s10 =	rddreg [dreg:$0x10];
	[sflag:s6] =	ssyncadd.s32 @!p1 $0xFFFFFD80  }
0x1e: {  	[spmem:s8], [sflag:s10] =	dma.local @!p0 [hbm:s9], $0x780  }
0x1f: {  	_ =	swait.ge @!p0 [sflag:s7], $0x780  }
0x20: {  	[sflag:s7] =	ssyncset.done @!p0 $0x0  }
0x21: {  	s8 =	simm.s32 $0xA;
	s1 =	rddreg [dreg:$0x7];
	[sflag:s7] =	ssyncadd.s32 @!p0 $0xFFFFF880  }
0x22: {  	[tilespmem:s3], [sflag:$0xA] =	stream.linear.gather [hbm4b:s1+s3], $0x200, $0x38;
	[tilespmem:$0x12140] =	vst v63  }
0x23: {  	_ =	swait.ge [sflag:s8], $0x200  }
0x24: {  	[sflag:s8] =	ssyncset.done $0x0  }
0x25: {  	[sflag:s8] =	ssyncadd.s32 $0xFFFFFE00  }
0x26: {  	s9 =	simm.s32 $0x40;
	s10 =	simm.s32 $0x200;
	[bflag:$0x0] =	sbarrier.arrive $0xFFFF  }
0x27: {  	[tilespmem:s10], [sflag:$0x1] =	stream.indirect.gather [spmem:s2], $0x80, s3, s9, $0xb8;
	[tilespmem:$0x12140] =	vst v63  }
0x28: {  	s11 =	simm.s32 $0x2200  }
0x29: {  	[tilespmem:s11], [sflag:$0x2] =	stream.indirect.gather [spmem:s2], $0x80, s9, s9, $0xb8;
	[tilespmem:$0x12140] =	vst v63  }
0x2a: {  	s12 =	simm.s32 $0x4200;
	s13 =	rddreg [dreg:$0x12]  }
0x2b: {  	[tilespmem:s12], [sflag:$0x3] =	stream.indirect.gather [spmem:s2], $0x80, s13, s9, $0xb8;
	[tilespmem:$0x12140] =	vst v63  }
0x2c: {  	s14 =	rddreg [dreg:$0x13];
	s13 =	simm.s32 $0x6200  }
0x2d: {  	[tilespmem:s13], [sflag:$0x4] =	stream.indirect.gather [spmem:s2], $0x80, s14, s9, $0xb8;
	[tilespmem:$0x12140] =	vst v63  }
0x2e: {  	s15 =	simm.s32 $0x8200;
	s5 =	simm.s32 $0x100  }
0x2f: {  	[tilespmem:s15], [sflag:$0x5] =	stream.indirect.gather [spmem:s2], $0x80, s5, s9, $0xb8;
	[tilespmem:$0x12140] =	vst v63  }
0x30: {  	s16 =	simm.s32 $0x140;
	s17 =	simm.s32 $0xA200  }
0x31: {  	[tilespmem:s17], [sflag:$0x6] =	stream.indirect.gather [spmem:s2], $0x80, s16, s9, $0xb8;
	[tilespmem:$0x12140] =	vst v63  }
0x32: {  	s18 =	simm.s32 $0x180;
	s19 =	simm.s32 $0xC200  }
0x33: {  	[tilespmem:s19], [sflag:$0x7] =	stream.indirect.gather [spmem:s2], $0x80, s18, s9, $0xb8;
	[tilespmem:$0x12140] =	vst v63  }
0x34: {  	s20 =	simm.s32 $0x1C0;
	s21 =	simm.s32 $0xE200;
	s22 =	simm.s32 $0x1  }
0x35: {  	[tilespmem:s21], [sflag:$0x8] =	stream.indirect.gather [spmem:s2], $0x80, s20, s9, $0xb8;
	[tilespmem:$0x12140] =	vst v63  }
0x36: {  	_ =	swait.ge [sflag:s22], $0x2000  }
0x37: {  	[sflag:s22] =	ssyncset.done $0x0  }
0x38: {  	s23 =	simm.s32 $0x2;
	[sflag:s22] =	ssyncadd.s32 $0xFFFFE000  }
0x39: {  	[hbm4b:s4+s3] =	stream.linear.scatter [tilespmem:s10], [sflag:$0x9], $0x2000, $0x38;
	[tilespmem:$0x12140] =	vst v63  }
0x3a: {  	_ =	swait.ge [sflag:s23], $0x2000  }
0x3b: {  	[sflag:s23] =	ssyncset.done $0x0  }
0x3c: {  	s24 =	rddreg [dreg:$0x8];
	[sflag:s23] =	ssyncadd.s32 $0xFFFFE000  }
0x3d: {  	[hbm4b:s24+s3] =	stream.linear.scatter [tilespmem:s11], [sflag:$0x9], $0x2000, $0x38;
	[tilespmem:$0x12140] =	vst v63  }
0x3e: {  	s24 =	simm.s32 $0x3  }
0x3f: {  	_ =	swait.ge [sflag:s24], $0x2000  }
0x40: {  	[sflag:s24] =	ssyncset.done $0x0  }
0x41: {  	s25 =	rddreg [dreg:$0x9];
	[sflag:s24] =	ssyncadd.s32 $0xFFFFE000  }
0x42: {  	[hbm4b:s25+s3] =	stream.linear.scatter [tilespmem:s12], [sflag:$0x9], $0x2000, $0x38;
	[tilespmem:$0x12140] =	vst v63  }
0x43: {  	s25 =	simm.s32 $0x4  }
0x44: {  	_ =	swait.ge [sflag:s25], $0x2000  }
0x45: {  	[sflag:s25] =	ssyncset.done $0x0  }
0x46: {  	s26 =	rddreg [dreg:$0xa];
	[sflag:s25] =	ssyncadd.s32 $0xFFFFE000  }
0x47: {  	[hbm4b:s26+s3] =	stream.linear.scatter [tilespmem:s13], [sflag:$0x9], $0x2000, $0x38;
	[tilespmem:$0x12140] =	vst v63  }
0x48: {  	s26 =	simm.s32 $0x5  }
0x49: {  	_ =	swait.ge [sflag:s26], $0x2000  }
0x4a: {  	[sflag:s26] =	ssyncset.done $0x0  }
0x4b: {  	s28 =	rddreg [dreg:$0xb];
	[sflag:s26] =	ssyncadd.s32 $0xFFFFE000  }
0x4c: {  	[hbm4b:s28+s3] =	stream.linear.scatter [tilespmem:s15], [sflag:$0x9], $0x2000, $0x38;
	[tilespmem:$0x12140] =	vst v63  }
0x4d: {  	s28 =	simm.s32 $0x6  }
0x4e: {  	_ =	swait.ge [sflag:s28], $0x2000  }
0x4f: {  	[sflag:s28] =	ssyncset.done $0x0  }
0x50: {  	s29 =	rddreg [dreg:$0xc];
	[sflag:s28] =	ssyncadd.s32 $0xFFFFE000  }
0x51: {  	[hbm4b:s29+s3] =	stream.linear.scatter [tilespmem:s17], [sflag:$0x9], $0x2000, $0x38;
	[tilespmem:$0x12140] =	vst v63  }
0x52: {  	s29 =	simm.s32 $0x7  }
0x53: {  	_ =	swait.ge [sflag:s29], $0x2000  }
0x54: {  	[sflag:s29] =	ssyncset.done $0x0  }
0x55: {  	s30 =	rddreg [dreg:$0xd];
	[sflag:s29] =	ssyncadd.s32 $0xFFFFE000  }
0x56: {  	[hbm4b:s30+s3] =	stream.linear.scatter [tilespmem:s19], [sflag:$0x9], $0x2000, $0x38;
	[tilespmem:$0x12140] =	vst v63  }
0x57: {  	s30 =	simm.s32 $0x8  }
0x58: {  	_ =	swait.ge [sflag:s30], $0x2000  }
0x59: {  	[sflag:s30] =	ssyncset.done $0x0  }
0x5a: {  	s31 =	rddreg [dreg:$0xe];
	[sflag:s30] =	ssyncadd.s32 $0xFFFFE000  }
0x5b: {  	[hbm4b:s31+s3] =	stream.linear.scatter [tilespmem:s21], [sflag:$0x9], $0x2000, $0x38;
	[tilespmem:$0x12140] =	vst v63  }
0x5c: {  	s31 =	simm.s32 $0x9  }
0x5d: {  	_ =	swait.ge [sflag:s31], $0x2000  }
0x5e: {  	[sflag:s31] =	ssyncset.done $0x0  }
0x5f: {  	[sflag:s31] =	ssyncadd.s32 $0xFFFFE000  }
0x60: {  	_ =	swait.ge [sflag:s31], $0x2000  }
0x61: {  	[sflag:s31] =	ssyncset.done $0x0  }
0x62: {  	[sflag:s31] =	ssyncadd.s32 $0xFFFFE000  }
0x63: {  	_ =	swait.ge [sflag:s31], $0x2000  }
0x64: {  	[sflag:s31] =	ssyncset.done $0x0  }
0x65: {  	[sflag:s31] =	ssyncadd.s32 $0xFFFFE000  }
0x66: {  	s0 =	ssub.s32 $0x2, s0;
	_ =	swait.ge [sflag:s31], $0x2000  }
0x67: {  	s14 =	sshrl.u32 s0, $0x1;
	[sflag:s31] =	ssyncset.done $0x0  }
0x68: {  	s0 =	ssub.s32 s0, s14;
	[sflag:s31] =	ssyncadd.s32 $0xFFFFE000  }
0x69: {  	s0 =	smax.u32 s0, $0x1;
	_ =	swait.ge [sflag:s31], $0x2000  }
0x6a: {  	s0 =	sadd.s32 $0xFFFFFFFF, s0;
	[sflag:s31] =	ssyncset.done $0x0  }
0x6b: {  	p2 =	sne.s32 s0, $0x0;
	[sflag:s31] =	ssyncadd.s32 $0xFFFFE000  }
.Ltmp0:
0x6c: {  	_ =	swait.ge [sflag:s31], $0x2000;
	(pc) =	sbr.rel @!p2 .LBB2_2-.Ltmp0, $4  }
0x6d: {  	[sflag:s31] =	ssyncset.done $0x0  }
0x6e: {  	[sflag:s31] =	ssyncadd.s32 $0xFFFFE000  }
0x6f: {  	_ =	swait.ge [sflag:s31], $0x2000  }
0x70: {  	[sflag:s31] =	ssyncset.done $0x0  }
.LBB2_1:
0x71: {  	[sflag:s31] =	ssyncadd.s32 $0xFFFFE000  }
0x72: {  	_ =	swait.ge [sflag:s31], $0x2000  }
0x73: {  	s1 =	rddreg [dreg:$0x5];
	[sflag:s31] =	ssyncset.done $0x0  }
0x74: {  	s14 =	simm.s32 @!p1 $0x1E0A;
	s5 =	rddreg [dreg:$0xf];
	[sflag:s31] =	ssyncadd.s32 $0xFFFFE000  }
0x75: {  	[spmem:s5], [sflag:s14] =	dma.local @!p1 [hbm:s1], $0x280  }
0x76: {  	_ =	swait.ge @!p1 [sflag:s6], $0x280  }
0x77: {  	s1 =	rddreg [dreg:$0x11]  }
0x78: {  	[sflag:s6] =	ssyncset.done @!p1 $0x0;
	s5 =	rddreg [dreg:$0x6]  }
0x79: {  	s14 =	rddreg [dreg:$0x10];
	[sflag:s6] =	ssyncadd.s32 @!p1 $0xFFFFFD80  }
0x7a: {  	[spmem:s1], [sflag:s14] =	dma.local @!p0 [hbm:s5], $0x780  }
0x7b: {  	_ =	swait.ge @!p0 [sflag:s7], $0x780  }
0x7c: {  	[sflag:s7] =	ssyncset.done @!p0 $0x0  }
0x7d: {  	s14 =	rddreg [dreg:$0x7];
	[sflag:s7] =	ssyncadd.s32 @!p0 $0xFFFFF880  }
0x7e: {  	[tilespmem:s3], [sflag:$0xA] =	stream.linear.gather [hbm4b:s14+s3], $0x200, $0x38;
	[tilespmem:$0x12140] =	vst v63  }
0x7f: {  	_ =	swait.ge [sflag:s8], $0x200  }
0x80: {  	[sflag:s8] =	ssyncset.done $0x0  }
0x81: {  	[sflag:s8] =	ssyncadd.s32 $0xFFFFFE00  }
0x82: {  	[bflag:$0x0] =	sbarrier.arrive $0xFFFF  }
0x83: {  	[tilespmem:s10], [sflag:$0x1] =	stream.indirect.gather [spmem:s2], $0x80, s3, s9, $0xb8;
	[tilespmem:$0x12140] =	vst v63  }
0x84: {  	_ = 	snop  }
0x85: {  	[tilespmem:s11], [sflag:$0x2] =	stream.indirect.gather [spmem:s2], $0x80, s9, s9, $0xb8;
	[tilespmem:$0x12140] =	vst v63  }
0x86: {  	s5 =	rddreg [dreg:$0x12]  }
0x87: {  	[tilespmem:s12], [sflag:$0x3] =	stream.indirect.gather [spmem:s2], $0x80, s5, s9, $0xb8;
	[tilespmem:$0x12140] =	vst v63  }
0x88: {  	s14 =	rddreg [dreg:$0x13]  }
0x89: {  	[tilespmem:s13], [sflag:$0x4] =	stream.indirect.gather [spmem:s2], $0x80, s14, s9, $0xb8;
	[tilespmem:$0x12140] =	vst v63  }
0x8a: {  	s5 =	simm.s32 $0x100  }
0x8b: {  	[tilespmem:s15], [sflag:$0x5] =	stream.indirect.gather [spmem:s2], $0x80, s5, s9, $0xb8;
	[tilespmem:$0x12140] =	vst v63  }
0x8c: {  	_ = 	snop  }
0x8d: {  	[tilespmem:s17], [sflag:$0x6] =	stream.indirect.gather [spmem:s2], $0x80, s16, s9, $0xb8;
	[tilespmem:$0x12140] =	vst v63  }
0x8e: {  	_ = 	snop  }
0x8f: {  	[tilespmem:s19], [sflag:$0x7] =	stream.indirect.gather [spmem:s2], $0x80, s18, s9, $0xb8;
	[tilespmem:$0x12140] =	vst v63  }
0x90: {  	_ = 	snop  }
0x91: {  	[tilespmem:s21], [sflag:$0x8] =	stream.indirect.gather [spmem:s2], $0x80, s20, s9, $0xb8;
	[tilespmem:$0x12140] =	vst v63  }
0x92: {  	_ =	swait.ge [sflag:s22], $0x2000  }
0x93: {  	[sflag:s22] =	ssyncset.done $0x0  }
0x94: {  	[sflag:s22] =	ssyncadd.s32 $0xFFFFE000  }
0x95: {  	[hbm4b:s4+s3] =	stream.linear.scatter [tilespmem:s10], [sflag:$0x9], $0x2000, $0x38;
	[tilespmem:$0x12140] =	vst v63  }
0x96: {  	_ =	swait.ge [sflag:s23], $0x2000  }
0x97: {  	[sflag:s23] =	ssyncset.done $0x0  }
0x98: {  	s14 =	rddreg [dreg:$0x8];
	[sflag:s23] =	ssyncadd.s32 $0xFFFFE000  }
0x99: {  	[hbm4b:s14+s3] =	stream.linear.scatter [tilespmem:s11], [sflag:$0x9], $0x2000, $0x38;
	[tilespmem:$0x12140] =	vst v63  }
0x9a: {  	_ =	swait.ge [sflag:s24], $0x2000  }
0x9b: {  	[sflag:s24] =	ssyncset.done $0x0  }
0x9c: {  	s5 =	rddreg [dreg:$0x9];
	[sflag:s24] =	ssyncadd.s32 $0xFFFFE000  }
0x9d: {  	[hbm4b:s5+s3] =	stream.linear.scatter [tilespmem:s12], [sflag:$0x9], $0x2000, $0x38;
	[tilespmem:$0x12140] =	vst v63  }
0x9e: {  	_ =	swait.ge [sflag:s25], $0x2000  }
0x9f: {  	[sflag:s25] =	ssyncset.done $0x0  }
0xa0: {  	s14 =	rddreg [dreg:$0xa];
	[sflag:s25] =	ssyncadd.s32 $0xFFFFE000  }
0xa1: {  	[hbm4b:s14+s3] =	stream.linear.scatter [tilespmem:s13], [sflag:$0x9], $0x2000, $0x38;
	[tilespmem:$0x12140] =	vst v63  }
0xa2: {  	_ =	swait.ge [sflag:s26], $0x2000  }
0xa3: {  	[sflag:s26] =	ssyncset.done $0x0  }
0xa4: {  	s5 =	rddreg [dreg:$0xb];
	[sflag:s26] =	ssyncadd.s32 $0xFFFFE000  }
0xa5: {  	[hbm4b:s5+s3] =	stream.linear.scatter [tilespmem:s15], [sflag:$0x9], $0x2000, $0x38;
	[tilespmem:$0x12140] =	vst v63  }
0xa6: {  	_ =	swait.ge [sflag:s28], $0x2000  }
0xa7: {  	[sflag:s28] =	ssyncset.done $0x0  }
0xa8: {  	s14 =	rddreg [dreg:$0xc];
	[sflag:s28] =	ssyncadd.s32 $0xFFFFE000  }
0xa9: {  	[hbm4b:s14+s3] =	stream.linear.scatter [tilespmem:s17], [sflag:$0x9], $0x2000, $0x38;
	[tilespmem:$0x12140] =	vst v63  }
0xaa: {  	_ =	swait.ge [sflag:s29], $0x2000  }
0xab: {  	[sflag:s29] =	ssyncset.done $0x0  }
0xac: {  	s5 =	rddreg [dreg:$0xd];
	[sflag:s29] =	ssyncadd.s32 $0xFFFFE000  }
0xad: {  	[hbm4b:s5+s3] =	stream.linear.scatter [tilespmem:s19], [sflag:$0x9], $0x2000, $0x38;
	[tilespmem:$0x12140] =	vst v63  }
0xae: {  	_ =	swait.ge [sflag:s30], $0x2000  }
0xaf: {  	[sflag:s30] =	ssyncset.done $0x0  }
0xb0: {  	s14 =	rddreg [dreg:$0xe];
	[sflag:s30] =	ssyncadd.s32 $0xFFFFE000  }
0xb1: {  	[hbm4b:s14+s3] =	stream.linear.scatter [tilespmem:s21], [sflag:$0x9], $0x2000, $0x38;
	[tilespmem:$0x12140] =	vst v63  }
0xb2: {  	_ =	swait.ge [sflag:s31], $0x2000  }
0xb3: {  	[sflag:s31] =	ssyncset.done $0x0  }
0xb4: {  	[sflag:s31] =	ssyncadd.s32 $0xFFFFE000  }
0xb5: {  	_ =	swait.ge [sflag:s31], $0x2000  }
0xb6: {  	[sflag:s31] =	ssyncset.done $0x0  }
0xb7: {  	[sflag:s31] =	ssyncadd.s32 $0xFFFFE000  }
0xb8: {  	_ =	swait.ge [sflag:s31], $0x2000  }
0xb9: {  	[sflag:s31] =	ssyncset.done $0x0  }
0xba: {  	[sflag:s31] =	ssyncadd.s32 $0xFFFFE000  }
0xbb: {  	_ =	swait.ge [sflag:s31], $0x2000  }
0xbc: {  	[sflag:s31] =	ssyncset.done $0x0  }
0xbd: {  	[sflag:s31] =	ssyncadd.s32 $0xFFFFE000  }
0xbe: {  	_ =	swait.ge [sflag:s31], $0x2000  }
0xbf: {  	s0 =	sadd.s32 $0xFFFFFFFF, s0;
	[sflag:s31] =	ssyncset.done $0x0  }
0xc0: {  	p2 =	sne.s32 s0, $0x0;
	[sflag:s31] =	ssyncadd.s32 $0xFFFFE000  }
.Ltmp1:
0xc1: {  	_ =	swait.ge [sflag:s31], $0x2000;
	(pc) =	sbr.rel @p2 .LBB2_1-.Ltmp1, $4  }
0xc2: {  	[sflag:s31] =	ssyncset.done $0x0  }
0xc3: {  	[sflag:s31] =	ssyncadd.s32 $0xFFFFE000  }
0xc4: {  	_ =	swait.ge [sflag:s31], $0x2000  }
0xc5: {  	[sflag:s31] =	ssyncset.done $0x0  }
.LBB2_2:
0xc6: {  	[sflag:s31] =	ssyncadd.s32 $0xFFFFE000  }
0xc7: {  	_ =	swait.ge [sflag:s31], $0x2000  }
0xc8: {  	[sflag:s31] =	ssyncset.done $0x0  }
0xc9: {  	[sflag:s31] =	ssyncadd.s32 $0xFFFFE000  }
0xca: {  	_ =	sfence.sel $0x180000  }
0xcb: {  	[bflag:$0x0] =	sbarrier.arrive $0xFFFF  }
0xcc: {  	_ =	strace $0x90000047  }
0xcd: {  	s0 =	stileid.u32;
	[bflag:$0x2] =	sbarrier.arrive $0xFFFF  }
0xce: {  	p0 =	sne.s32 s0, $0x0;
	s0 =	rddreg [dreg:$0x4]  }
0xcf: {  	s0 =	sadd.s32 @!p0 $0x100000, s0  }
0xd0: {  	[sflag:s0] =	ssyncadd.tile.s32 @!p0 $0x1;
	_ =	shalt  }
.Lfunc_end2:
_tile_overlayer_lowered:
.L_overlay_start_2:
0xd1: {  	(tag) =	ssettag $0x2  }
0xd2: {  	s0 =	rddreg [dreg:$0x0];
	s2 =	stileid.u32  }
0xd3: {  	s1 =	rddreg [dreg:$0x1];
	p0 =	sne.s32 s2, $0x0  }
0xd4: {  	s3 =	rddreg [dreg:$0x2];
	[bflag:$0x3] =	sbarrier.arrive $0xFFFF;
	s2 =	simm.s32 @!p0 $0x1C0A  }
0xd5: {  	[timem:s3], [sflag:s2] =	dma.local @!p0 [hbm:s0], s1  }
0xd6: {  	s0 =	simm.s32 @!p0 $0xA  }
0xd7: {  	_ =	swait.ge @!p0 [sflag:s0], s1  }
0xd8: {  	s1 =	ssub.s32 @!p0 $0x0, s1;
	[sflag:s0] =	ssyncset.done @!p0 $0x0  }
0xd9: {  	[sflag:s0] =	ssyncadd.s32 @!p0 s1  }
0xda: {  	[bflag:$0x3] =	sbarrier.arrive $0xFFFF  }
0xdb: {  	_ =	shalt  }

</sc_bundles>
